<compile_context>
chip_gen: v7x
topology: tpu7x:2x2x1
jax: 0.10.2.dev20260603
libtpu: 0.0.44.dev20260713+nightly
codegen_flags: <defaults>
</compile_context>

<pallas_src>
import functools

import jax
import jax.numpy as jnp
from jax import lax
from jax.experimental import pallas as pl
from jax.experimental.pallas import tpu as pltpu
from jax.experimental.pallas import tpu_sc as plsc

NUM_NEG = 20
CROSS_NEG = 5
TOTAL_NEG = NUM_NEG + CROSS_NEG
BSZ, SEQ, DIM = 2, 2048, 768
NUM_ROWS = BSZ * SEQ
NUM_OUT = TOTAL_NEG * BSZ * SEQ

NC, NS = 2, 16
NW = NC * NS
ROWS_PER_W = NUM_OUT // NW
CHUNK = 80
NCHUNKS = ROWS_PER_W // CHUNK


def _neg_indices():
    key = jax.random.key(42)
    k1, key = jax.random.split(key)
    tszs = jnp.repeat(jnp.arange(SEQ), NUM_NEG)
    neg = jax.random.randint(k1, (BSZ, NUM_NEG * SEQ), 0, SEQ - 1)
    neg = jnp.where(neg >= tszs[None, :], neg + 1, neg)
    neg = neg + jnp.arange(BSZ)[:, None] * SEQ
    k2, key = jax.random.split(key)
    tszs_c = jnp.repeat(jnp.arange(SEQ), CROSS_NEG)
    cross = jax.random.randint(k2, (BSZ, CROSS_NEG * SEQ), 0, BSZ * SEQ - 1)
    cross = jnp.where(cross >= tszs_c[None, :], cross + 1, cross)
    return jnp.concatenate([neg, cross], axis=1)


@functools.cache
def _build_gather_sc():
    @functools.partial(
        pl.kernel,
        out_type=jax.ShapeDtypeStruct((NUM_OUT, DIM), jnp.float32),
        mesh=plsc.VectorSubcoreMesh(core_axis_name="c", subcore_axis_name="s"),
        scratch_types=[
            pltpu.VMEM((ROWS_PER_W,), jnp.int32),
            pltpu.VMEM((CHUNK, DIM), jnp.float32),
            pltpu.VMEM((CHUNK, DIM), jnp.float32),
            pltpu.SemaphoreType.DMA,
            pltpu.SemaphoreType.DMA,
            pltpu.SemaphoreType.DMA,
            pltpu.SemaphoreType.DMA,
        ],
    )
    def _gather_sc(table_hbm, idx_hbm, out_hbm, idx_v, rows0, rows1,
                   sg0, sg1, sw0, sw1):
        wid = lax.axis_index("s") * NC + lax.axis_index("c")
        base = pl.multiple_of(wid * ROWS_PER_W, ROWS_PER_W)
        pltpu.sync_copy(idx_hbm.at[pl.ds(base, ROWS_PER_W)], idx_v)

        bufs = (rows0, rows1)
        sgs = (sg0, sg1)
        sws = (sw0, sw1)

        def gather_start(k, b):
            off = pl.multiple_of(k * CHUNK, CHUNK)
            pltpu.async_copy(
                table_hbm.at[idx_v.at[pl.ds(off, CHUNK)]], bufs[b], sgs[b]
            )

        def gather_wait(b):
            pltpu.make_async_copy(
                table_hbm.at[idx_v.at[pl.ds(0, CHUNK)]], bufs[b], sgs[b]
            ).wait()

        def write_start(k, b):
            off = pl.multiple_of(k * CHUNK, CHUNK)
            pltpu.async_copy(
                bufs[b], out_hbm.at[pl.ds(base + off, CHUNK)], sws[b]
            )

        def write_wait(b):
            pltpu.make_async_copy(
                bufs[b], out_hbm.at[pl.ds(base, CHUNK)], sws[b]
            ).wait()

        gather_start(0, 0)
        gather_wait(0)
        write_start(0, 0)
        gather_start(1, 1)

        def group(jj, carry):
            for i in range(2):
                k = 1 + 2 * jj + i
                b = (1 + i) % 2
                gather_wait(b)
                write_start(k, b)
                write_wait(1 - b)
                gather_start(k + 1, 1 - b)
            return carry

        lax.fori_loop(0, (NCHUNKS - 2) // 2, group, 0)

        gather_wait(1)
        write_start(NCHUNKS - 1, 1)
        write_wait(0)
        write_wait(1)

    return _gather_sc


def kernel(input):
    x = input
    neg_idxs = _neg_indices()
    perm = jnp.transpose(
        neg_idxs.reshape(BSZ, SEQ, TOTAL_NEG), (2, 0, 1)
    ).reshape(-1)
    flat = x.reshape(NUM_ROWS, DIM)
    out = _build_gather_sc()(flat, perm)
    negs = out.reshape(TOTAL_NEG, BSZ, SEQ, DIM)
    return (x, negs, neg_idxs)

# --- scband reference (transcript-rebuilt; emitter-appended) ---
"""Pipeline reference for scband-negative-sampler-4337916968996 (READ-ONLY COPY).

The authoritative reference and input builder live on the scoring server;
editing this copy changes nothing except your own understanding.
"""

import jax, jax.numpy as jnp
import numpy as np

NUM_NEGATIVES = 20
CROSS_SAMPLE_NEGATIVES = 5
B, T, D = 2, 2048, 768


def setup_inputs(seed: int = 0) -> dict:
    key = jax.random.key(seed)
    x = jax.random.normal(key, (B, T, D), dtype=jnp.float32)
    return {"input": x}


def _sample_neg_idxs(bsz, num, num_negatives, cross_sample_negatives):
    # Deterministic stand-in for torch.randint inside forward.
    key = jax.random.key(42)
    high = num
    neg_idxs = None
    if num_negatives > 0:
        k1, key = jax.random.split(key)
        # tszs = arange(T).unsqueeze(-1).expand(-1, num_negatives).flatten()
        tszs = jnp.repeat(jnp.arange(num), num_negatives)
        neg_idxs = jax.random.randint(k1, (bsz, num_negatives * num), 0, high - 1)
        # neg_idxs[neg_idxs >= tszs] += 1  (avoid sampling the positive itself)
        neg_idxs = jnp.where(neg_idxs >= tszs[None, :], neg_idxs + 1, neg_idxs)
        neg_idxs = neg_idxs + jnp.arange(bsz)[:, None] * high
    if cross_sample_negatives > 0:
        k2, key = jax.random.split(key)
        tszs_c = jnp.repeat(jnp.arange(num), cross_sample_negatives)
        cross_neg_idxs = jax.random.randint(k2, (bsz, cross_sample_negatives * num), 0, bsz * num - 1)
        cross_neg_idxs = jnp.where(cross_neg_idxs >= tszs_c[None, :], cross_neg_idxs + 1, cross_neg_idxs)
        if neg_idxs is None:
            neg_idxs = cross_neg_idxs
        else:
            neg_idxs = jnp.concatenate([neg_idxs, cross_neg_idxs], axis=1)
    return neg_idxs


def reference(input):
    # preprocessor = nn.Identity()
    preprocessed = input
    bsz, num, fsz = preprocessed.shape
    total_negs = NUM_NEGATIVES + CROSS_SAMPLE_NEGATIVES
    neg_idxs = _sample_neg_idxs(bsz, num, NUM_NEGATIVES, CROSS_SAMPLE_NEGATIVES)
    # flatten (B, T, D) -> (B*T, D) and gather negatives
    flat = preprocessed.reshape(-1, fsz)
    negs = jnp.take(flat, neg_idxs.reshape(-1), axis=0)
    negs = negs.reshape(bsz, num, total_negs, fsz).transpose(2, 0, 1, 3)  # N x B x T x D
    return (preprocessed, negs, neg_idxs)

if __name__ == "__main__":
    import jax
    _d = setup_inputs()
    print(jax.jit(kernel)(*tuple(_d.values())))

</pallas_src>

<mosaic_0001>
#map = affine_map<(d0, d1) -> (0, 0)>
#map1 = affine_map<(d0, d1) -> (0)>
module attributes {stable_mosaic.version = 14 : i64} {
  func.func @_gather_sc(%arg0: i32, %arg1: i32, %arg2: memref<4096x768xf32, #tpu.memory_space<hbm>>, %arg3: memref<102400xi32, #tpu.memory_space<hbm>>, %arg4: memref<102400x768xf32, #tpu.memory_space<hbm>>, %arg5: memref<3200xi32, #tpu.memory_space<vmem>>, %arg6: memref<80x768xf32, #tpu.memory_space<vmem>>, %arg7: memref<80x768xf32, #tpu.memory_space<vmem>>, %arg8: memref<!tpu.dma_semaphore, #tpu.memory_space<semaphore_mem>>, %arg9: memref<!tpu.dma_semaphore, #tpu.memory_space<semaphore_mem>>, %arg10: memref<!tpu.dma_semaphore, #tpu.memory_space<semaphore_mem>>, %arg11: memref<!tpu.dma_semaphore, #tpu.memory_space<semaphore_mem>>) attributes {dimension_semantics = [#tpu.dimension_semantics<core_parallel>, #tpu.dimension_semantics<subcore_parallel>], iteration_bounds = array<i64: 2, 16>, scalar_prefetch = 0 : i64, scratch_operands = 7 : i64, tpu.core_type = #tpu.core_type<sc_vector_subcore>, window_params = [{transform_indices = #map}, {transform_indices = #map1}, {transform_indices = #map}]} {
    %mul3A = arith.constant 2 : i32
    %mul3A_0 = arith.muli %arg1, %mul3A : i32
    %add3A = arith.addi %mul3A_0, %arg0 : i32
    %mul3A_1 = arith.constant 3200 : i32
    %mul3A_2 = arith.muli %add3A, %mul3A_1 : i32
    %multiple_of3A = tpu.assume_multiple %mul3A_2, 3200 : i32
    "tpu.region"() ({
      %run_scoped3A = tpu.sem_alloc : memref<!tpu.dma_semaphore, #tpu.memory_space<semaphore_mem>>
      %dma_start3A_50 = tpu.memref_slice %arg3[%multiple_of3A] : memref<102400xi32, #tpu.memory_space<hbm>> -> memref<3200xi32, #tpu.memory_space<hbm>>
      %dma_start3A_51 = tpu.memref_slice %arg3[%multiple_of3A] : memref<102400xi32, #tpu.memory_space<hbm>> -> memref<3200xi32, #tpu.memory_space<hbm>>
      tpu.enqueue_dma source(%dma_start3A_51 : memref<3200xi32, #tpu.memory_space<hbm>>) target(%arg5 : memref<3200xi32, #tpu.memory_space<vmem>>) target_semaphore(%run_scoped3A : memref<!tpu.dma_semaphore, #tpu.memory_space<semaphore_mem>>)
      %dma_wait3A_52 = tpu.memref_slice %arg3[%multiple_of3A] : memref<102400xi32, #tpu.memory_space<hbm>> -> memref<3200xi32, #tpu.memory_space<hbm>>
      %dma_wait3A_53 = tpu.memref_slice %arg3[%multiple_of3A] : memref<102400xi32, #tpu.memory_space<hbm>> -> memref<3200xi32, #tpu.memory_space<hbm>>
      tpu.wait_dma2 semaphore(%run_scoped3A : memref<!tpu.dma_semaphore, #tpu.memory_space<semaphore_mem>>) src(%dma_wait3A_53 : memref<3200xi32, #tpu.memory_space<hbm>>) dst(%arg5 : memref<3200xi32, #tpu.memory_space<vmem>>)
      tpu.yield
    }) : () -> ()
    %multiple_of3A_3 = arith.constant 0 : i32
    %multiple_of3A_4 = tpu.assume_multiple %multiple_of3A_3, 80 : i32
    %dma_start3A = tpu.memref_slice %arg5[%multiple_of3A_4] : memref<3200xi32, #tpu.memory_space<vmem>> -> memref<80xi32, #tpu.memory_space<vmem>>
    %dma_start3A_5 = arith.constant 0 : i32
    %dma_start3A_6 = arith.constant 0 : i32
    %dma_start3A_7 = tpu.memref_slice %arg2[%dma_start3A_5, %dma_start3A_6] : memref<4096x768xf32, #tpu.memory_space<hbm>> -> memref<4096x768xf32, #tpu.memory_space<hbm>>
    tpu.enqueue_indirect_dma source(%dma_start3A_7 : memref<4096x768xf32, #tpu.memory_space<hbm>>) target(%arg6 : memref<80x768xf32, #tpu.memory_space<vmem>>) offsets(%dma_start3A : memref<80xi32, #tpu.memory_space<vmem>>) semaphore(%arg8 : memref<!tpu.dma_semaphore, #tpu.memory_space<semaphore_mem>>)
    %dma_wait3A = arith.constant 0 : i32
    %dma_wait3A_8 = tpu.memref_slice %arg5[%dma_wait3A] : memref<3200xi32, #tpu.memory_space<vmem>> -> memref<80xi32, #tpu.memory_space<vmem>>
    %dma_wait3A_9 = arith.constant 0 : i32
    %dma_wait3A_10 = arith.constant 0 : i32
    %dma_wait3A_11 = tpu.memref_slice %arg2[%dma_wait3A_9, %dma_wait3A_10] : memref<4096x768xf32, #tpu.memory_space<hbm>> -> memref<4096x768xf32, #tpu.memory_space<hbm>>
    tpu.wait_indirect_dma semaphore(%arg8 : memref<!tpu.dma_semaphore, #tpu.memory_space<semaphore_mem>>) src(%dma_wait3A_11 : memref<4096x768xf32, #tpu.memory_space<hbm>>) dst(%arg6 : memref<80x768xf32, #tpu.memory_space<vmem>>)
    %multiple_of3A_12 = arith.constant 0 : i32
    %multiple_of3A_13 = tpu.assume_multiple %multiple_of3A_12, 80 : i32
    %add3A_14 = arith.addi %multiple_of3A, %multiple_of3A_13 : i32
    %dma_start3A_15 = arith.constant 0 : i32
    %dma_start3A_16 = tpu.memref_slice %arg4[%add3A_14, %dma_start3A_15] : memref<102400x768xf32, #tpu.memory_space<hbm>> -> memref<80x768xf32, #tpu.memory_space<hbm>>
    %dma_start3A_17 = arith.constant 0 : i32
    %dma_start3A_18 = tpu.memref_slice %arg4[%add3A_14, %dma_start3A_17] : memref<102400x768xf32, #tpu.memory_space<hbm>> -> memref<80x768xf32, #tpu.memory_space<hbm>>
    tpu.enqueue_dma source(%arg6 : memref<80x768xf32, #tpu.memory_space<vmem>>) target(%dma_start3A_18 : memref<80x768xf32, #tpu.memory_space<hbm>>) target_semaphore(%arg10 : memref<!tpu.dma_semaphore, #tpu.memory_space<semaphore_mem>>)
    %multiple_of3A_19 = arith.constant 80 : i32
    %multiple_of3A_20 = tpu.assume_multiple %multiple_of3A_19, 80 : i32
    %dma_start3A_21 = tpu.memref_slice %arg5[%multiple_of3A_20] : memref<3200xi32, #tpu.memory_space<vmem>> -> memref<80xi32, #tpu.memory_space<vmem>>
    %dma_start3A_22 = arith.constant 0 : i32
    %dma_start3A_23 = arith.constant 0 : i32
    %dma_start3A_24 = tpu.memref_slice %arg2[%dma_start3A_22, %dma_start3A_23] : memref<4096x768xf32, #tpu.memory_space<hbm>> -> memref<4096x768xf32, #tpu.memory_space<hbm>>
    tpu.enqueue_indirect_dma source(%dma_start3A_24 : memref<4096x768xf32, #tpu.memory_space<hbm>>) target(%arg7 : memref<80x768xf32, #tpu.memory_space<vmem>>) offsets(%dma_start3A_21 : memref<80xi32, #tpu.memory_space<vmem>>) semaphore(%arg9 : memref<!tpu.dma_semaphore, #tpu.memory_space<semaphore_mem>>)
    %scan3A = arith.constant 0 : i32
    %scan3A_25 = arith.constant 0 : i32
    %scan3A_26 = arith.constant 19 : i32
    %scan3A_27 = arith.addi %scan3A_25, %scan3A_26 : i32
    %scan3A_28 = arith.constant 1 : i32
    scf.for %scan3A_50 = %scan3A_25 to %scan3A_27 step %scan3A_28  : i32 {
      %mul3A_51 = arith.constant 2 : i32
      %mul3A_52 = arith.muli %mul3A_51, %scan3A_50 : i32
      %add3A_53 = arith.constant 1 : i32
      %add3A_54 = arith.addi %add3A_53, %mul3A_52 : i32
      %add3A_55 = arith.constant 0 : i32
      %add3A_56 = arith.addi %add3A_54, %add3A_55 : i32
      %dma_wait3A_57 = arith.constant 0 : i32
      %dma_wait3A_58 = tpu.memref_slice %arg5[%dma_wait3A_57] : memref<3200xi32, #tpu.memory_space<vmem>> -> memref<80xi32, #tpu.memory_space<vmem>>
      %dma_wait3A_59 = arith.constant 0 : i32
      %dma_wait3A_60 = arith.constant 0 : i32
      %dma_wait3A_61 = tpu.memref_slice %arg2[%dma_wait3A_59, %dma_wait3A_60] : memref<4096x768xf32, #tpu.memory_space<hbm>> -> memref<4096x768xf32, #tpu.memory_space<hbm>>
      tpu.wait_indirect_dma semaphore(%arg9 : memref<!tpu.dma_semaphore, #tpu.memory_space<semaphore_mem>>) src(%dma_wait3A_61 : memref<4096x768xf32, #tpu.memory_space<hbm>>) dst(%arg7 : memref<80x768xf32, #tpu.memory_space<vmem>>)
      %mul3A_62 = arith.constant 80 : i32
      %mul3A_63 = arith.muli %add3A_56, %mul3A_62 : i32
      %multiple_of3A_64 = tpu.assume_multiple %mul3A_63, 80 : i32
      %add3A_65 = arith.addi %multiple_of3A, %multiple_of3A_64 : i32
      %dma_start3A_66 = arith.constant 0 : i32
      %dma_start3A_67 = tpu.memref_slice %arg4[%add3A_65, %dma_start3A_66] : memref<102400x768xf32, #tpu.memory_space<hbm>> -> memref<80x768xf32, #tpu.memory_space<hbm>>
      %dma_start3A_68 = arith.constant 0 : i32
      %dma_start3A_69 = tpu.memref_slice %arg4[%add3A_65, %dma_start3A_68] : memref<102400x768xf32, #tpu.memory_space<hbm>> -> memref<80x768xf32, #tpu.memory_space<hbm>>
      tpu.enqueue_dma source(%arg7 : memref<80x768xf32, #tpu.memory_space<vmem>>) target(%dma_start3A_69 : memref<80x768xf32, #tpu.memory_space<hbm>>) target_semaphore(%arg11 : memref<!tpu.dma_semaphore, #tpu.memory_space<semaphore_mem>>)
      %dma_wait3A_70 = arith.constant 0 : i32
      %dma_wait3A_71 = tpu.memref_slice %arg4[%multiple_of3A, %dma_wait3A_70] : memref<102400x768xf32, #tpu.memory_space<hbm>> -> memref<80x768xf32, #tpu.memory_space<hbm>>
      %dma_wait3A_72 = arith.constant 0 : i32
      %dma_wait3A_73 = tpu.memref_slice %arg4[%multiple_of3A, %dma_wait3A_72] : memref<102400x768xf32, #tpu.memory_space<hbm>> -> memref<80x768xf32, #tpu.memory_space<hbm>>
      tpu.wait_dma2 semaphore(%arg10 : memref<!tpu.dma_semaphore, #tpu.memory_space<semaphore_mem>>) src(%arg6 : memref<80x768xf32, #tpu.memory_space<vmem>>) dst(%dma_wait3A_73 : memref<80x768xf32, #tpu.memory_space<hbm>>)
      %add3A_74 = arith.constant 1 : i32
      %add3A_75 = arith.addi %add3A_56, %add3A_74 : i32
      %mul3A_76 = arith.constant 80 : i32
      %mul3A_77 = arith.muli %add3A_75, %mul3A_76 : i32
      %multiple_of3A_78 = tpu.assume_multiple %mul3A_77, 80 : i32
      %dma_start3A_79 = tpu.memref_slice %arg5[%multiple_of3A_78] : memref<3200xi32, #tpu.memory_space<vmem>> -> memref<80xi32, #tpu.memory_space<vmem>>
      %dma_start3A_80 = arith.constant 0 : i32
      %dma_start3A_81 = arith.constant 0 : i32
      %dma_start3A_82 = tpu.memref_slice %arg2[%dma_start3A_80, %dma_start3A_81] : memref<4096x768xf32, #tpu.memory_space<hbm>> -> memref<4096x768xf32, #tpu.memory_space<hbm>>
      tpu.enqueue_indirect_dma source(%dma_start3A_82 : memref<4096x768xf32, #tpu.memory_space<hbm>>) target(%arg6 : memref<80x768xf32, #tpu.memory_space<vmem>>) offsets(%dma_start3A_79 : memref<80xi32, #tpu.memory_space<vmem>>) semaphore(%arg8 : memref<!tpu.dma_semaphore, #tpu.memory_space<semaphore_mem>>)
      %mul3A_83 = arith.constant 2 : i32
      %mul3A_84 = arith.muli %mul3A_83, %scan3A_50 : i32
      %add3A_85 = arith.constant 1 : i32
      %add3A_86 = arith.addi %add3A_85, %mul3A_84 : i32
      %add3A_87 = arith.constant 1 : i32
      %add3A_88 = arith.addi %add3A_86, %add3A_87 : i32
      %dma_wait3A_89 = arith.constant 0 : i32
      %dma_wait3A_90 = tpu.memref_slice %arg5[%dma_wait3A_89] : memref<3200xi32, #tpu.memory_space<vmem>> -> memref<80xi32, #tpu.memory_space<vmem>>
      %dma_wait3A_91 = arith.constant 0 : i32
      %dma_wait3A_92 = arith.constant 0 : i32
      %dma_wait3A_93 = tpu.memref_slice %arg2[%dma_wait3A_91, %dma_wait3A_92] : memref<4096x768xf32, #tpu.memory_space<hbm>> -> memref<4096x768xf32, #tpu.memory_space<hbm>>
      tpu.wait_indirect_dma semaphore(%arg8 : memref<!tpu.dma_semaphore, #tpu.memory_space<semaphore_mem>>) src(%dma_wait3A_93 : memref<4096x768xf32, #tpu.memory_space<hbm>>) dst(%arg6 : memref<80x768xf32, #tpu.memory_space<vmem>>)
      %mul3A_94 = arith.constant 80 : i32
      %mul3A_95 = arith.muli %add3A_88, %mul3A_94 : i32
      %multiple_of3A_96 = tpu.assume_multiple %mul3A_95, 80 : i32
      %add3A_97 = arith.addi %multiple_of3A, %multiple_of3A_96 : i32
      %dma_start3A_98 = arith.constant 0 : i32
      %dma_start3A_99 = tpu.memref_slice %arg4[%add3A_97, %dma_start3A_98] : memref<102400x768xf32, #tpu.memory_space<hbm>> -> memref<80x768xf32, #tpu.memory_space<hbm>>
      %dma_start3A_100 = arith.constant 0 : i32
      %dma_start3A_101 = tpu.memref_slice %arg4[%add3A_97, %dma_start3A_100] : memref<102400x768xf32, #tpu.memory_space<hbm>> -> memref<80x768xf32, #tpu.memory_space<hbm>>
      tpu.enqueue_dma source(%arg6 : memref<80x768xf32, #tpu.memory_space<vmem>>) target(%dma_start3A_101 : memref<80x768xf32, #tpu.memory_space<hbm>>) target_semaphore(%arg10 : memref<!tpu.dma_semaphore, #tpu.memory_space<semaphore_mem>>)
      %dma_wait3A_102 = arith.constant 0 : i32
      %dma_wait3A_103 = tpu.memref_slice %arg4[%multiple_of3A, %dma_wait3A_102] : memref<102400x768xf32, #tpu.memory_space<hbm>> -> memref<80x768xf32, #tpu.memory_space<hbm>>
      %dma_wait3A_104 = arith.constant 0 : i32
      %dma_wait3A_105 = tpu.memref_slice %arg4[%multiple_of3A, %dma_wait3A_104] : memref<102400x768xf32, #tpu.memory_space<hbm>> -> memref<80x768xf32, #tpu.memory_space<hbm>>
      tpu.wait_dma2 semaphore(%arg11 : memref<!tpu.dma_semaphore, #tpu.memory_space<semaphore_mem>>) src(%arg7 : memref<80x768xf32, #tpu.memory_space<vmem>>) dst(%dma_wait3A_105 : memref<80x768xf32, #tpu.memory_space<hbm>>)
      %add3A_106 = arith.constant 1 : i32
      %add3A_107 = arith.addi %add3A_88, %add3A_106 : i32
      %mul3A_108 = arith.constant 80 : i32
      %mul3A_109 = arith.muli %add3A_107, %mul3A_108 : i32
      %multiple_of3A_110 = tpu.assume_multiple %mul3A_109, 80 : i32
      %dma_start3A_111 = tpu.memref_slice %arg5[%multiple_of3A_110] : memref<3200xi32, #tpu.memory_space<vmem>> -> memref<80xi32, #tpu.memory_space<vmem>>
      %dma_start3A_112 = arith.constant 0 : i32
      %dma_start3A_113 = arith.constant 0 : i32
      %dma_start3A_114 = tpu.memref_slice %arg2[%dma_start3A_112, %dma_start3A_113] : memref<4096x768xf32, #tpu.memory_space<hbm>> -> memref<4096x768xf32, #tpu.memory_space<hbm>>
      tpu.enqueue_indirect_dma source(%dma_start3A_114 : memref<4096x768xf32, #tpu.memory_space<hbm>>) target(%arg7 : memref<80x768xf32, #tpu.memory_space<vmem>>) offsets(%dma_start3A_111 : memref<80xi32, #tpu.memory_space<vmem>>) semaphore(%arg9 : memref<!tpu.dma_semaphore, #tpu.memory_space<semaphore_mem>>)
    }
    %scan3A_29 = arith.constant 19 : i32
    %dma_wait3A_30 = arith.constant 0 : i32
    %dma_wait3A_31 = tpu.memref_slice %arg5[%dma_wait3A_30] : memref<3200xi32, #tpu.memory_space<vmem>> -> memref<80xi32, #tpu.memory_space<vmem>>
    %dma_wait3A_32 = arith.constant 0 : i32
    %dma_wait3A_33 = arith.constant 0 : i32
    %dma_wait3A_34 = tpu.memref_slice %arg2[%dma_wait3A_32, %dma_wait3A_33] : memref<4096x768xf32, #tpu.memory_space<hbm>> -> memref<4096x768xf32, #tpu.memory_space<hbm>>
    tpu.wait_indirect_dma semaphore(%arg9 : memref<!tpu.dma_semaphore, #tpu.memory_space<semaphore_mem>>) src(%dma_wait3A_34 : memref<4096x768xf32, #tpu.memory_space<hbm>>) dst(%arg7 : memref<80x768xf32, #tpu.memory_space<vmem>>)
    %multiple_of3A_35 = arith.constant 3120 : i32
    %multiple_of3A_36 = tpu.assume_multiple %multiple_of3A_35, 80 : i32
    %add3A_37 = arith.addi %multiple_of3A, %multiple_of3A_36 : i32
    %dma_start3A_38 = arith.constant 0 : i32
    %dma_start3A_39 = tpu.memref_slice %arg4[%add3A_37, %dma_start3A_38] : memref<102400x768xf32, #tpu.memory_space<hbm>> -> memref<80x768xf32, #tpu.memory_space<hbm>>
    %dma_start3A_40 = arith.constant 0 : i32
    %dma_start3A_41 = tpu.memref_slice %arg4[%add3A_37, %dma_start3A_40] : memref<102400x768xf32, #tpu.memory_space<hbm>> -> memref<80x768xf32, #tpu.memory_space<hbm>>
    tpu.enqueue_dma source(%arg7 : memref<80x768xf32, #tpu.memory_space<vmem>>) target(%dma_start3A_41 : memref<80x768xf32, #tpu.memory_space<hbm>>) target_semaphore(%arg11 : memref<!tpu.dma_semaphore, #tpu.memory_space<semaphore_mem>>)
    %dma_wait3A_42 = arith.constant 0 : i32
    %dma_wait3A_43 = tpu.memref_slice %arg4[%multiple_of3A, %dma_wait3A_42] : memref<102400x768xf32, #tpu.memory_space<hbm>> -> memref<80x768xf32, #tpu.memory_space<hbm>>
    %dma_wait3A_44 = arith.constant 0 : i32
    %dma_wait3A_45 = tpu.memref_slice %arg4[%multiple_of3A, %dma_wait3A_44] : memref<102400x768xf32, #tpu.memory_space<hbm>> -> memref<80x768xf32, #tpu.memory_space<hbm>>
    tpu.wait_dma2 semaphore(%arg10 : memref<!tpu.dma_semaphore, #tpu.memory_space<semaphore_mem>>) src(%arg6 : memref<80x768xf32, #tpu.memory_space<vmem>>) dst(%dma_wait3A_45 : memref<80x768xf32, #tpu.memory_space<hbm>>)
    %dma_wait3A_46 = arith.constant 0 : i32
    %dma_wait3A_47 = tpu.memref_slice %arg4[%multiple_of3A, %dma_wait3A_46] : memref<102400x768xf32, #tpu.memory_space<hbm>> -> memref<80x768xf32, #tpu.memory_space<hbm>>
    %dma_wait3A_48 = arith.constant 0 : i32
    %dma_wait3A_49 = tpu.memref_slice %arg4[%multiple_of3A, %dma_wait3A_48] : memref<102400x768xf32, #tpu.memory_space<hbm>> -> memref<80x768xf32, #tpu.memory_space<hbm>>
    tpu.wait_dma2 semaphore(%arg11 : memref<!tpu.dma_semaphore, #tpu.memory_space<semaphore_mem>>) src(%arg7 : memref<80x768xf32, #tpu.memory_space<vmem>>) dst(%dma_wait3A_49 : memref<80x768xf32, #tpu.memory_space<hbm>>)
    return
  }
}

</mosaic_0001>

<sc_bundles>
// kernel: kernel.3.cloned.1.call-start
scs
__scs_entry_jumppad:
0x0: {  	(pc) =	sbr.rel $0x88, $3  }
0x1: {  	(tag) =	ssettag $0x0;
	lr =	simm.s32 $0x1  }
0x2: {  	[smem:$0x3FA0] =	sst lr;
	_ =	strace $0xD0000000  }
0x3: {  	_ = 	snop  }
0x4: {  	_ = 	snop  }
0x5: {  	_ = 	snop  }
0x6: {  	_ = 	snop  }
0x7: {  	_ = 	snop  }
__scs_overlays_trampoline_lowered:
0x8: {  	[smem:$0x3FAF] =	sst s0  }
0x9: {  	[smem:$0x3FB0] =	sst s1  }
0xa: {  	[smem:$0x3FB1] =	sst s2  }
0xb: {  	[smem:$0x3FB2] =	sst s3  }
0xc: {  	[smem:$0x3FB3] =	sst s4  }
0xd: {  	[smem:$0x3FB4] =	sst s5  }
0xe: {  	[smem:$0x3FB5] =	sst s6  }
0xf: {  	[smem:$0x3FB6] =	sst s7  }
0x10: {  	[smem:$0x3FB7] =	sst s8  }
0x11: {  	[smem:$0x3FB8] =	sst s9;
	s0 =	simm.s32 @!p0 $0x0  }
0x12: {  	s1 =	sld [smem:$0x3F9E];
	s0 =	simm.s32 @p0 $0x1  }
0x13: {  	[smem:$0x3FB9] =	sst s0;
	s0 =	simm.s32 @!p1 $0x0  }
0x14: {  	s2 =	sld [smem:$0x3F9D];
	s0 =	simm.s32 @p1 $0x1  }
0x15: {  	[smem:$0x3FBA] =	sst s0;
	s0 =	simm.s32 @!p2 $0x0  }
0x16: {  	s3 =	sld [smem:$0x3FDB];
	s0 =	simm.s32 @p2 $0x1  }
0x17: {  	s4 =	simm.s32 $0x1BF5;
	[smem:$0x3FBC] =	sst s0  }
0x18: {  	s0 =	sld [smem:$0x3F9F];
	_ =	swait.ge [sflag:s4], $0x0  }
0x19: {  	s7 =	sld [smem:$0x3FA0]  }
0x1a: {  	s8 =	sadd.s32 $0xFFFFE003, lr  }
0x1b: {  	s9 =	sadd.s32 $0xFFFFFEF7, lr;
	s5 =	simm.s32 $0xFFFFFFFF;
	p2 =	slt.u32 s8, $0xFFFFF086  }
0x1c: {  	p1 =	slt.u32 s9, $0xF7A;
	s5 =	simm.s32 @!p2 $0x0  }
0x1d: {  	s5 =	simm.s32 @p1 $0x1;
	p0 =	seq.s32 s7, s2  }
0x1e: {  	s7 =	smul.u32 @!p0 $0xF7A, s2;
	p2 =	seq.s32 @!p0 s5, $0x0  }
0x1f: {  	s9 =	smul.u32 $0xF7A, s1;
	s8 =	simm.s32 @!p0 $0x1BF5;
	p2 =	por !p2, p0  }
0x20: {  	[sflag:s8] =	ssyncset.s32 @!p0 $0xFFFFF086;
	s6 =	sadd.s32 @!p0 s3, s7;
	s7 =	simm.s32 @!p0 $0x108  }
0x21: {  	s3 =	sadd.s32 s3, s9;
	s6 =	sadd.s32 @!p0 $0x88, s6;
	s7 =	simm.s32 @p2 $0x1082  }
0x22: {  	[simem:s7], [sflag:s8] =	dma.local @!p0 [hbm:s6], $0xF7A  }
0x23: {  	s9 =	sor.u32 $0xD0000000, s2;
	s6 =	simm.s32 $0x108;
	_ =	swait.ge @!p0 [sflag:s8], $0x0  }
0x24: {  	s3 =	sadd.s32 $0x88, s3;
	s6 =	simm.s32 @!p1 $0x1082;
	[sflag:s4] =	ssyncset.s32 $0xFFFFF086  }
0x25: {  	[simem:s6], [sflag:s4] =	dma.local [hbm:s3], $0xF7A  }
0x26: {  	[smem:$0x3FA0] =	sst s1;
	(tag) =	ssettag s2;
	_ =	strace s9  }
0x27: {  	s1 =	sld [smem:$0x3FB0]  }
0x28: {  	s2 =	sld [smem:$0x3FB1]  }
0x29: {  	s4 =	sld [smem:$0x3FB3]  }
0x2a: {  	p0 =	seq.s32 s5, $0x0;
	s5 =	sld [smem:$0x3FB4]  }
0x2b: {  	s6 =	sld [smem:$0x3FB5]  }
0x2c: {  	s7 =	sld [smem:$0x3FB6]  }
0x2d: {  	s3 =	simm.s32 $0x108;
	s8 =	sld [smem:$0x3FB7]  }
0x2e: {  	s3 =	simm.s32 @!p0 $0x1082;
	s9 =	sld [smem:$0x3FB8]  }
0x2f: {  	lr =	sadd.s32 s0, s3;
	s0 =	sld [smem:$0x3FAF]  }
0x30: {  	s3 =	sld [smem:$0x3FB2]  }
0x31: {  	[smem:$0x3FBB] =	sst s10  }
0x32: {  	s10 =	sld [smem:$0x3FB9];
	_ =	sdelay $0x3  }
0x33: {  	p0 =	seq.s32 s10, $0x1;
	s10 =	sld [smem:$0x3FBB];
	_ =	sdelay $0x3  }
0x34: {  	[smem:$0x3FBB] =	sst s10  }
0x35: {  	s10 =	sld [smem:$0x3FBA];
	_ =	sdelay $0x3  }
0x36: {  	p1 =	seq.s32 s10, $0x1;
	s10 =	sld [smem:$0x3FBB];
	_ =	sdelay $0x3  }
0x37: {  	[smem:$0x3FBB] =	sst s10  }
0x38: {  	s10 =	sld [smem:$0x3FBC]  }
0x39: {  	_ = 	snop;
	(pc) =	sbr.ind lr, $3  }
0x3a: {  	_ = 	snop  }
0x3b: {  	_ = 	snop  }
0x3c: {  	p2 =	seq.s32 s10, $0x1;
	s10 =	sld [smem:$0x3FBB]  }
0x3d: {  	_ =	shalt  }
0x3e: {  	_ =	shalt  }
0x3f: {  	_ =	shalt  }
0x40: {  	_ =	shalt  }
0x41: {  	_ =	shalt  }
0x42: {  	_ =	shalt  }
0x43: {  	_ =	shalt  }
0x44: {  	_ =	shalt  }
0x45: {  	_ =	shalt  }
0x46: {  	_ =	shalt  }
0x47: {  	_ =	shalt  }
0x48: {  	_ =	shalt  }
0x49: {  	_ =	shalt  }
0x4a: {  	_ =	shalt  }
0x4b: {  	_ =	shalt  }
0x4c: {  	_ =	shalt  }
0x4d: {  	_ =	shalt  }
0x4e: {  	_ =	shalt  }
0x4f: {  	_ =	shalt  }
0x50: {  	_ =	shalt  }
0x51: {  	_ =	shalt  }
0x52: {  	_ =	shalt  }
0x53: {  	_ =	shalt  }
0x54: {  	_ =	shalt  }
0x55: {  	_ =	shalt  }
0x56: {  	_ =	shalt  }
0x57: {  	_ =	shalt  }
0x58: {  	_ =	shalt  }
0x59: {  	_ =	shalt  }
0x5a: {  	_ =	shalt  }
0x5b: {  	_ =	shalt  }
0x5c: {  	_ =	shalt  }
0x5d: {  	_ =	shalt  }
0x5e: {  	_ =	shalt  }
0x5f: {  	_ =	shalt  }
0x60: {  	_ =	shalt  }
0x61: {  	_ =	shalt  }
0x62: {  	_ =	shalt  }
0x63: {  	_ =	shalt  }
0x64: {  	_ =	shalt  }
0x65: {  	_ =	shalt  }
0x66: {  	_ =	shalt  }
0x67: {  	_ =	shalt  }
0x68: {  	_ =	shalt  }
0x69: {  	_ =	shalt  }
0x6a: {  	_ =	shalt  }
0x6b: {  	_ =	shalt  }
0x6c: {  	_ =	shalt  }
0x6d: {  	_ =	shalt  }
0x6e: {  	_ =	shalt  }
0x6f: {  	_ =	shalt  }
0x70: {  	_ =	shalt  }
0x71: {  	_ =	shalt  }
0x72: {  	_ =	shalt  }
0x73: {  	_ =	shalt  }
0x74: {  	_ =	shalt  }
0x75: {  	_ =	shalt  }
0x76: {  	_ =	shalt  }
0x77: {  	_ =	shalt  }
0x78: {  	_ =	shalt  }
0x79: {  	_ =	shalt  }
0x7a: {  	_ =	shalt  }
0x7b: {  	_ =	shalt  }
0x7c: {  	_ =	shalt  }
0x7d: {  	_ =	shalt  }
0x7e: {  	_ =	shalt  }
0x7f: {  	_ =	shalt  }
0x80: {  	_ =	shalt  }
0x81: {  	_ =	shalt  }
0x82: {  	_ =	shalt  }
0x83: {  	_ =	shalt  }
0x84: {  	_ =	shalt  }
0x85: {  	_ =	shalt  }
0x86: {  	_ =	shalt  }
0x87: {  	_ =	shalt  }
.Lfunc_end0:
.L_simem_size_0:
called_computation_lowered:
.L_overlay_start_0:
0x88: {  	s2 =	sld [smem:$0x3FD9]  }
0x89: {  	s3 =	sld [smem:$0x3FFE];
	_ =	sdelay $0x1  }
0x8a: {  	s1 =	srdreg.scid  }
0x8b: {  	s0 =	sand.u32 $0x1, s1  }
0x8c: {  	s15 =	sshll.u32 s0, $0xA;
	s2 =	sadd.s32 s3, s2  }
0x8d: {  	s2 =	sadd.s32 s2, s15  }
0x8e: {  	[smem:$0x3FC7] =	sst s2  }
0x8f: {  	_ = 	snop  }
0x90: {  	s2 =	sld [smem:$0x3FD0];
	_ =	sdelay $0x2  }
0x91: {  	s4 =	simm.s32 $0xA;
	s5 =	simm.s32 $0x10;
	s16 =	sld [smem:$0x3FC9]  }
0x92: {  	[smem:s5], [sflag:s4] =	dma.local [hbm:s2], $0x1  }
0x93: {  	_ =	swait.eq [sflag:s4], $0x1  }
0x94: {  	[sflag:s4] =	ssyncset.done $0x0  }
0x95: {  	s17 =	sld [smem:$0x10];
	[sflag:s4] =	ssyncadd.s32 $0xFFFFFFFF  }
0x96: {  	s18 =	sld [smem:$0x11];
	(tm) =	ssettm $0x1  }
0x97: {  	s19 =	sld [smem:$0x3FFB];
	_ =	sdelay $0x3  }
0x98: {  	_ =	strace s19  }
0x99: {  	s5 =	sld [smem:$0x3FFC];
	_ =	sdelay $0x3  }
0x9a: {  	_ =	strace s5  }
0x9b: {  	s5 =	sld [smem:$0x3FFD];
	_ =	sdelay $0x3  }
0x9c: {  	_ =	strace s5  }
0x9d: {  	_ =	strace $0x8FFFFFFF  }
0x9e: {  	s20 =	sld [smem:$0x3FDB];
	_ =	sdelay $0x1  }
0x9f: {  	s6 =	simm.s32 $_scs_section_size  }
0xa0: {  	s7 =	simm.s32 $_size__tile_overlayer_lowered;
	s8 =	simm.s32 $_tile_overlayer_lowered  }
0xa1: {  	s23 =	simm.s32 $0x1BFF;
	s22 =	sshll.u32 s8, $0x1;
	s5 =	sadd.s32 s6, s20  }
0xa2: {  	s9 =	simm.s32 $0x0;
	s21 =	sshll.u32 s7, $0x1;
	s7 =	sadd.s32 s22, s5  }
0xa3: {  	[timem:s9], [sflag:s23] =	dma.local [hbm:s7], s21  }
0xa4: {  	_ =	swait.ge [sflag:s23], s21  }
0xa5: {  	s6 =	ssub.s32 $0x0, s21;
	[sflag:s23] =	ssyncset.done $0x0  }
0xa6: {  	[sflag:s23] =	ssyncadd.s32 s6;
	_ =	sdelay $0x1  }
0xa7: {  	s24 =	simm.s32 $0x1B8B  }
0xa8: {  	_ =	swait.ge [sflag:s24], $0x1  }
0xa9: {  	[sflag:s24] =	ssyncset.done $0x0  }
0xaa: {  	s25 =	simm.s32 $0x1B8E;
	[sflag:s24] =	ssyncadd.s32 $0xFFFFFFFF  }
0xab: {  	s26 =	simm.s32 $execute0_lowered;
	[smem:$0x3FD2] =	sst s25  }
0xac: {  	s6 =	sshll.u32 s26, $0x1;
	_ =	strace $0x80000046;
	[dreg:$0x1] =	wrdreg $0xFFFFFFFF  }
0xad: {  	s28 =	simm.s32 $_size_execute0_lowered;
	s5 =	sadd.s32 s5, s6;
	[dreg:$0x0] =	wrdreg $0x0  }
0xae: {  	s6 =	sshll.u32 s28, $0x1;
	[dreg:$0x2] =	wrdreg s5  }
0xaf: {  	[dreg:$0x3] =	wrdreg s6  }
0xb0: {  	[dreg:$0x4] =	wrdreg $0xC0  }
0xb1: {  	_ =	task [dreg:s9], $0x5FFFF  }
0xb2: {  	[dreg:$0x1] =	wrdreg $0xFFFFFFFF  }
0xb3: {  	[dreg:$0x0] =	wrdreg $0x60  }
0xb4: {  	[dreg:$0x2] =	wrdreg s16  }
0xb5: {  	[dreg:$0x3] =	wrdreg s17  }
0xb6: {  	[dreg:$0x4] =	wrdreg s18  }
0xb7: {  	[dreg:$0x5] =	wrdreg $0x9  }
0xb8: {  	_ =	task.clear_ibuf [dreg:s9], $0x6FFFF;
	_ =	strace $0x90000046  }
0xb9: {  	s29 =	simm.s32 $0x9;
	_ =	strace $0x80000048  }
0xba: {  	_ =	swait.ge [sflag:s29], $0x1  }
0xbb: {  	[sflag:s29] =	ssyncadd.s32 $0xFFFFFFFF  }
0xbc: {  	_ =	strace $0x90000048  }
0xbd: {  	_ =	sfence  }
0xbe: {  	s30 =	sld [smem:$0x0];
	_ =	sdelay $0x2  }
0xbf: {  	s31 =	sshll.u32 s1, $0xD;
	s1 =	sshrl.u32 s1, $0x2  }
0xc0: {  	s3 =	sand.u32 $0x4000, s31;
	s1 =	sadd.s32 s1, s30  }
0xc1: {  	s0 =	sor.u32 s3, s0;
	s1 =	sshll.u32 s1, $0x11  }
0xc2: {  	s0 =	sor.u32 s1, s0  }
0xc3: {  	s0 =	sadd.s32 $0x8F2B, s0  }
0xc4: {  	[sflag:s0] =	ssyncadd.remote.s32 $0x1  }
0xc5: {  	_ =	sfence.sel $0xFFFF  }
0xc6: {  	[dreg:$0x0] =	wrdreg $0xFFFFFFFF;
	(pc) =	sbr.abs _section_cstart, $3  }
0xc7: {  	[dreg:$0x1] =	wrdreg $0xFFFFFFFF  }
0xc8: {  	_ =	task.clear_ibuf [dreg:s9], $0x2FFFF;
	_ =	strace $0x9FFFFFFF  }
0xc9: {  	(tm) =	ssettm $0x7FFFFFFF  }
tec
execute0_lowered:
.L_overlay_start_1:
0x0: {  	(tag) =	ssettag $0x1  }
0x1: {  	s1 =	rddreg [dreg:$0x0]  }
0x2: {  	s0 =	rddreg [dreg:$0x1]  }
0x3: {  	s10 =	rddreg [dreg:$0x2];
	s2 =	srdreg.scid  }
0x4: {  	s4 =	stileid.u32;
	s11 =	simm.s32 $0x3480;
	s12 =	simm.s32 $0x4480  }
0x5: {  	s13 =	simm.s32 $0x4C80;
	s15 =	simm.s32 $0x5480;
	s16 =	simm.s32 $0x5C80  }
0x6: {  	s17 =	simm.s32 $0x6480;
	s18 =	simm.s32 $0x6C80;
	s21 =	simm.s32 $0x7480  }
0x7: {  	s14 =	simm.s32 $0x7C80;
	s23 =	simm.s32 $0x8480;
	s24 =	simm.s32 $0x8C80  }
0x8: {  	s20 =	simm.s32 $0x9C80;
	s31 =	simm.s32 $0xB480;
	s19 =	simm.s32 $0x1  }
0x9: {  	s22 =	simm.s32 $0xFC80;
	s28 =	simm.s32 $0x2;
	s29 =	simm.s32 $0x3  }
0xa: {  	s30 =	simm.s32 $0x4;
	s2 =	sand.u32 $0x1, s2;
	s3 =	sshll.u32 s4, $0x1  }
0xb: {  	s5 =	smul.u32 $0x1900, s4;
	s4 =	simm.s32 $0x0;
	s8 =	sadd.s32 $0x200, s1  }
0xc: {  	s3 =	sor.u32 s2, s3;
	s6 =	smul.u32 $0xC80, s2;
	s2 =	ssub.s32 $0x2, s2  }
0xd: {  	[smem:$0x7FF] =	sst s4;
	s3 =	smul.u32 $0xC80, s3;
	s7 =	sshrl.u32 s2, $0x1  }
0xe: {  	_ =	strace $0x80000047;
	s5 =	sadd.s32 s6, s5;
	s2 =	ssub.s32 s2, s7  }
0xf: {  	s7 =	sadd.s32 $0x100, s1;
	s3 =	sshrl.u32 s3, $0x3;
	[dreg:$0x9] =	wrdreg s5  }
0x10: {  	s6 =	sor.u32 $0x50, s5;
	s2 =	smax.u32 s2, $0x1;
	s5 =	simm.s32 $0x9480  }
0x11: {  	s9 =	smul.u32 $0x300, s3;
	s0 =	sadd.s32 s0, s3;
	[dreg:$0x7] =	wrdreg s2  }
0x12: {  	s6 =	sshrl.u32 s6, $0x3;
	s2 =	simm.s32 $0x1C80;
	[dreg:$0x4] =	wrdreg s0  }
0x13: {  	s25 =	smul.u32 $0x300, s6;
	s6 =	simm.s32 $0x1480;
	s26 =	sadd.s32 s10, s9  }
0x14: {  	s9 =	simm.s32 $0x2C80;
	[dreg:$0x5] =	wrdreg s26;
	s3 =	sadd.s32 $0x49200, s26  }
0x15: {  	v2 =	vlaneseq.u32;
	s0 =	sadd.s32 s25, s10;
	s10 =	simm.s32 $0x2480;
	[dreg:$0x6] =	wrdreg s3  }
0x16: {  	vm0 =	vmmov $0xffff;
	v1 =	vshrl.u32 v2, $0x3;
	s25 =	simm.s32 $0xA480;
	[dreg:$0x8] =	wrdreg s0;
	s0 =	simm.s32 $0x0  }
0x17: {  	v0 =	vand.u32 $0x7, v2;
	v2 =	vor.u32 $0x8, v2;
	v1 =	vmul.u32 $0x8, v1;
	s26 =	simm.s32 $0xAC80;
	s3 =	simm.s32 $0x3C80;
	[dreg:$0xa] =	wrdreg s0  }
.LBB2_1:
0x18: {  	s0 =	rddreg [dreg:$0x4]  }
0x19: {  	[tilespmem:s4], [sflag:$0x5] =	stream.linear.gather [hbm4b:s0+s4], $0xC80, $0x38;
	[tilespmem:$0x1EC80] =	vst v63  }
0x1a: {  	s0 =	simm.s32 $0x5  }
0x1b: {  	_ =	swait.ge [sflag:s0], $0xC80  }
0x1c: {  	[sflag:s0] =	ssyncset.done $0x0  }
0x1d: {  	[sflag:s0] =	ssyncadd.s32 $0xFFFFF380  }
0x1e: {  	v3 =	vld [tilespmem:$0x0];
	_ =	sdelay $0x4  }
0x1f: {  	v4 =	vshrl.u32 v3, $0x3  }
0x20: {  	v4 =	vmul.u32 $0x30, v4  }
0x21: {  	v3 =	vand.u32 $0x7, v3  }
0x22: {  	v3 =	vor.u32 v3, v4  }
0x23: {  	v4 =	vperm.xlane v3, v0;
	_ =	sdelay $0x1  }
0x24: {  	v4 =	vadd.s32 v1, v4;
	_ =	sdelay $0x3  }
0x25: {  	s0 =	simm.s32 $0xC80;
	v3 =	vperm.xlane v3, v2  }
0x26: {  	[tilespmem:s0], [sflag:$0x1] =	stream.indirect_vreg.gather [hbm4b:s1+s4], $0x80, v4, vm0, $0xb8;
	[tilespmem:$0x1EC80] =	vst v63  }
0x27: {  	v3 =	vadd.s32 v1, v3  }
0x28: {  	[tilespmem:s6], [sflag:$0x1] =	stream.indirect_vreg.gather [hbm4b:s7+s4], $0x80, v4, vm0, $0xb8;
	[tilespmem:$0x1EC80] =	vst v63  }
0x29: {  	_ = 	snop  }
0x2a: {  	[tilespmem:s2], [sflag:$0x1] =	stream.indirect_vreg.gather [hbm4b:s8+s4], $0x80, v4, vm0, $0xb8;
	[tilespmem:$0x1EC80] =	vst v63  }
0x2b: {  	_ = 	snop  }
0x2c: {  	[tilespmem:s10], [sflag:$0x1] =	stream.indirect_vreg.gather [hbm4b:s1+s4], $0x80, v3, vm0, $0xb8;
	[tilespmem:$0x1EC80] =	vst v63  }
0x2d: {  	_ = 	snop  }
0x2e: {  	[tilespmem:s9], [sflag:$0x1] =	stream.indirect_vreg.gather [hbm4b:s7+s4], $0x80, v3, vm0, $0xb8;
	[tilespmem:$0x1EC80] =	vst v63  }
0x2f: {  	_ = 	snop  }
0x30: {  	[tilespmem:s11], [sflag:$0x1] =	stream.indirect_vreg.gather [hbm4b:s8+s4], $0x80, v3, vm0, $0xb8;
	[tilespmem:$0x1EC80] =	vst v63  }
0x31: {  	v3 =	vld [tilespmem:$0x10];
	_ =	sdelay $0x4  }
0x32: {  	v55 =	vshrl.u32 v3, $0x3  }
0x33: {  	v4 =	vmul.u32 $0x30, v55  }
0x34: {  	v3 =	vand.u32 $0x7, v3  }
0x35: {  	v3 =	vor.u32 v3, v4  }
0x36: {  	v4 =	vperm.xlane v3, v0;
	_ =	sdelay $0x1  }
0x37: {  	v4 =	vadd.s32 v1, v4;
	_ =	sdelay $0x3  }
0x38: {  	v3 =	vperm.xlane v3, v2  }
0x39: {  	[tilespmem:s3], [sflag:$0x1] =	stream.indirect_vreg.gather [hbm4b:s1+s4], $0x80, v4, vm0, $0xb8;
	[tilespmem:$0x1EC80] =	vst v63  }
0x3a: {  	v3 =	vadd.s32 v1, v3  }
0x3b: {  	[tilespmem:s12], [sflag:$0x1] =	stream.indirect_vreg.gather [hbm4b:s7+s4], $0x80, v4, vm0, $0xb8;
	[tilespmem:$0x1EC80] =	vst v63  }
0x3c: {  	_ = 	snop  }
0x3d: {  	[tilespmem:s13], [sflag:$0x1] =	stream.indirect_vreg.gather [hbm4b:s8+s4], $0x80, v4, vm0, $0xb8;
	[tilespmem:$0x1EC80] =	vst v63  }
0x3e: {  	_ = 	snop  }
0x3f: {  	[tilespmem:s15], [sflag:$0x1] =	stream.indirect_vreg.gather [hbm4b:s1+s4], $0x80, v3, vm0, $0xb8;
	[tilespmem:$0x1EC80] =	vst v63  }
0x40: {  	_ = 	snop  }
0x41: {  	[tilespmem:s16], [sflag:$0x1] =	stream.indirect_vreg.gather [hbm4b:s7+s4], $0x80, v3, vm0, $0xb8;
	[tilespmem:$0x1EC80] =	vst v63  }
0x42: {  	_ = 	snop  }
0x43: {  	[tilespmem:s17], [sflag:$0x1] =	stream.indirect_vreg.gather [hbm4b:s8+s4], $0x80, v3, vm0, $0xb8;
	[tilespmem:$0x1EC80] =	vst v63  }
0x44: {  	v3 =	vld [tilespmem:$0x20];
	_ =	sdelay $0x4  }
0x45: {  	v56 =	vshrl.u32 v3, $0x3  }
0x46: {  	v4 =	vmul.u32 $0x30, v56  }
0x47: {  	v3 =	vand.u32 $0x7, v3  }
0x48: {  	v3 =	vor.u32 v3, v4  }
0x49: {  	v4 =	vperm.xlane v3, v0;
	_ =	sdelay $0x1  }
0x4a: {  	v4 =	vadd.s32 v1, v4;
	_ =	sdelay $0x3  }
0x4b: {  	v3 =	vperm.xlane v3, v2  }
0x4c: {  	[tilespmem:s18], [sflag:$0x1] =	stream.indirect_vreg.gather [hbm4b:s1+s4], $0x80, v4, vm0, $0xb8;
	[tilespmem:$0x1EC80] =	vst v63  }
0x4d: {  	v3 =	vadd.s32 v1, v3  }
0x4e: {  	[tilespmem:s21], [sflag:$0x1] =	stream.indirect_vreg.gather [hbm4b:s7+s4], $0x80, v4, vm0, $0xb8;
	[tilespmem:$0x1EC80] =	vst v63  }
0x4f: {  	_ = 	snop  }
0x50: {  	[tilespmem:s14], [sflag:$0x1] =	stream.indirect_vreg.gather [hbm4b:s8+s4], $0x80, v4, vm0, $0xb8;
	[tilespmem:$0x1EC80] =	vst v63  }
0x51: {  	_ = 	snop  }
0x52: {  	[tilespmem:s23], [sflag:$0x1] =	stream.indirect_vreg.gather [hbm4b:s1+s4], $0x80, v3, vm0, $0xb8;
	[tilespmem:$0x1EC80] =	vst v63  }
0x53: {  	_ = 	snop  }
0x54: {  	[tilespmem:s24], [sflag:$0x1] =	stream.indirect_vreg.gather [hbm4b:s7+s4], $0x80, v3, vm0, $0xb8;
	[tilespmem:$0x1EC80] =	vst v63  }
0x55: {  	_ = 	snop  }
0x56: {  	[tilespmem:s5], [sflag:$0x1] =	stream.indirect_vreg.gather [hbm4b:s8+s4], $0x80, v3, vm0, $0xb8;
	[tilespmem:$0x1EC80] =	vst v63  }
0x57: {  	v3 =	vld [tilespmem:$0x30];
	_ =	sdelay $0x4  }
0x58: {  	v57 =	vshrl.u32 v3, $0x3  }
0x59: {  	v4 =	vmul.u32 $0x30, v57  }
0x5a: {  	v3 =	vand.u32 $0x7, v3  }
0x5b: {  	v3 =	vor.u32 v3, v4  }
0x5c: {  	v4 =	vperm.xlane v3, v0;
	_ =	sdelay $0x1  }
0x5d: {  	v4 =	vadd.s32 v1, v4;
	_ =	sdelay $0x3  }
0x5e: {  	v3 =	vperm.xlane v3, v2  }
0x5f: {  	[tilespmem:s20], [sflag:$0x1] =	stream.indirect_vreg.gather [hbm4b:s1+s4], $0x80, v4, vm0, $0xb8;
	[tilespmem:$0x1EC80] =	vst v63  }
0x60: {  	v3 =	vadd.s32 v1, v3  }
0x61: {  	[tilespmem:s25], [sflag:$0x1] =	stream.indirect_vreg.gather [hbm4b:s7+s4], $0x80, v4, vm0, $0xb8;
	[tilespmem:$0x1EC80] =	vst v63  }
0x62: {  	_ = 	snop  }
0x63: {  	[tilespmem:s26], [sflag:$0x1] =	stream.indirect_vreg.gather [hbm4b:s8+s4], $0x80, v4, vm0, $0xb8;
	[tilespmem:$0x1EC80] =	vst v63  }
0x64: {  	_ = 	snop  }
0x65: {  	[tilespmem:s31], [sflag:$0x1] =	stream.indirect_vreg.gather [hbm4b:s1+s4], $0x80, v3, vm0, $0xb8;
	[tilespmem:$0x1EC80] =	vst v63  }
0x66: {  	s10 =	simm.s32 $0xBC80  }
0x67: {  	[tilespmem:s10], [sflag:$0x1] =	stream.indirect_vreg.gather [hbm4b:s7+s4], $0x80, v3, vm0, $0xb8;
	[tilespmem:$0x1EC80] =	vst v63  }
0x68: {  	s11 =	simm.s32 $0xC480  }
0x69: {  	[tilespmem:s11], [sflag:$0x1] =	stream.indirect_vreg.gather [hbm4b:s8+s4], $0x80, v3, vm0, $0xb8;
	[tilespmem:$0x1EC80] =	vst v63  }
0x6a: {  	v3 =	vld [tilespmem:$0x40];
	_ =	sdelay $0x4  }
0x6b: {  	v58 =	vshrl.u32 v3, $0x3  }
0x6c: {  	v4 =	vmul.u32 $0x30, v58  }
0x6d: {  	v3 =	vand.u32 $0x7, v3  }
0x6e: {  	v3 =	vor.u32 v3, v4  }
0x6f: {  	v4 =	vperm.xlane v3, v0;
	_ =	sdelay $0x1  }
0x70: {  	v4 =	vadd.s32 v1, v4;
	_ =	sdelay $0x3  }
0x71: {  	s12 =	simm.s32 $0xCC80;
	v3 =	vperm.xlane v3, v2  }
0x72: {  	[tilespmem:s12], [sflag:$0x1] =	stream.indirect_vreg.gather [hbm4b:s1+s4], $0x80, v4, vm0, $0xb8;
	[tilespmem:$0x1EC80] =	vst v63  }
0x73: {  	s13 =	simm.s32 $0xD480;
	v3 =	vadd.s32 v1, v3  }
0x74: {  	[tilespmem:s13], [sflag:$0x1] =	stream.indirect_vreg.gather [hbm4b:s7+s4], $0x80, v4, vm0, $0xb8;
	[tilespmem:$0x1EC80] =	vst v63  }
0x75: {  	s14 =	simm.s32 $0xDC80  }
0x76: {  	[tilespmem:s14], [sflag:$0x1] =	stream.indirect_vreg.gather [hbm4b:s8+s4], $0x80, v4, vm0, $0xb8;
	[tilespmem:$0x1EC80] =	vst v63  }
0x77: {  	s15 =	simm.s32 $0xE480  }
0x78: {  	[tilespmem:s15], [sflag:$0x1] =	stream.indirect_vreg.gather [hbm4b:s1+s4], $0x80, v3, vm0, $0xb8;
	[tilespmem:$0x1EC80] =	vst v63  }
0x79: {  	s16 =	simm.s32 $0xEC80  }
0x7a: {  	[tilespmem:s16], [sflag:$0x1] =	stream.indirect_vreg.gather [hbm4b:s7+s4], $0x80, v3, vm0, $0xb8;
	[tilespmem:$0x1EC80] =	vst v63  }
0x7b: {  	s17 =	simm.s32 $0xF480  }
0x7c: {  	[tilespmem:s17], [sflag:$0x1] =	stream.indirect_vreg.gather [hbm4b:s8+s4], $0x80, v3, vm0, $0xb8;
	[tilespmem:$0x1EC80] =	vst v63  }
0x7d: {  	_ =	swait.ge [sflag:s19], $0xF000  }
0x7e: {  	[sflag:s19] =	ssyncset.done $0x0  }
0x7f: {  	s20 =	simm.s32 $0xC80;
	s18 =	rddreg [dreg:$0x5];
	[sflag:s19] =	ssyncadd.s32 $0xFFFF1000  }
0x80: {  	[hbm4b:s18+s4] =	stream.linear.scatter [tilespmem:s20], [sflag:$0x3], $0xF000, $0x38;
	[tilespmem:$0x1EC80] =	vst v63  }
0x81: {  	v3 =	vld [tilespmem:$0x50];
	_ =	sdelay $0x4  }
0x82: {  	v59 =	vshrl.u32 v3, $0x3  }
0x83: {  	v4 =	vmul.u32 $0x30, v59  }
0x84: {  	v3 =	vand.u32 $0x7, v3  }
0x85: {  	v3 =	vor.u32 v3, v4  }
0x86: {  	v4 =	vperm.xlane v3, v0;
	_ =	sdelay $0x1  }
0x87: {  	v4 =	vadd.s32 v1, v4;
	_ =	sdelay $0x3  }
0x88: {  	v3 =	vperm.xlane v3, v2  }
0x89: {  	[tilespmem:s22], [sflag:$0x2] =	stream.indirect_vreg.gather [hbm4b:s1+s4], $0x80, v4, vm0, $0xb8;
	[tilespmem:$0x1EC80] =	vst v63  }
0x8a: {  	s21 =	simm.s32 $0x10480;
	v3 =	vadd.s32 v1, v3  }
0x8b: {  	[tilespmem:s21], [sflag:$0x2] =	stream.indirect_vreg.gather [hbm4b:s7+s4], $0x80, v4, vm0, $0xb8;
	[tilespmem:$0x1EC80] =	vst v63  }
0x8c: {  	s22 =	simm.s32 $0x10C80  }
0x8d: {  	[tilespmem:s22], [sflag:$0x2] =	stream.indirect_vreg.gather [hbm4b:s8+s4], $0x80, v4, vm0, $0xb8;
	[tilespmem:$0x1EC80] =	vst v63  }
0x8e: {  	s23 =	simm.s32 $0x11480  }
0x8f: {  	[tilespmem:s23], [sflag:$0x2] =	stream.indirect_vreg.gather [hbm4b:s1+s4], $0x80, v3, vm0, $0xb8;
	[tilespmem:$0x1EC80] =	vst v63  }
0x90: {  	s24 =	simm.s32 $0x11C80  }
0x91: {  	[tilespmem:s24], [sflag:$0x2] =	stream.indirect_vreg.gather [hbm4b:s7+s4], $0x80, v3, vm0, $0xb8;
	[tilespmem:$0x1EC80] =	vst v63  }
0x92: {  	s25 =	simm.s32 $0x12480  }
0x93: {  	[tilespmem:s25], [sflag:$0x2] =	stream.indirect_vreg.gather [hbm4b:s8+s4], $0x80, v3, vm0, $0xb8;
	[tilespmem:$0x1EC80] =	vst v63  }
0x94: {  	v3 =	vld [tilespmem:$0x60];
	_ =	sdelay $0x4  }
0x95: {  	v60 =	vshrl.u32 v3, $0x3  }
0x96: {  	v4 =	vmul.u32 $0x30, v60  }
0x97: {  	v3 =	vand.u32 $0x7, v3  }
0x98: {  	v3 =	vor.u32 v3, v4  }
0x99: {  	v4 =	vperm.xlane v3, v0;
	_ =	sdelay $0x1  }
0x9a: {  	v4 =	vadd.s32 v1, v4;
	_ =	sdelay $0x3  }
0x9b: {  	s26 =	simm.s32 $0x12C80;
	v3 =	vperm.xlane v3, v2  }
0x9c: {  	[tilespmem:s26], [sflag:$0x2] =	stream.indirect_vreg.gather [hbm4b:s1+s4], $0x80, v4, vm0, $0xb8;
	[tilespmem:$0x1EC80] =	vst v63  }
0x9d: {  	s2 =	simm.s32 $0x13480;
	v3 =	vadd.s32 v1, v3  }
0x9e: {  	[tilespmem:s2], [sflag:$0x2] =	stream.indirect_vreg.gather [hbm4b:s7+s4], $0x80, v4, vm0, $0xb8;
	[tilespmem:$0x1EC80] =	vst v63  }
0x9f: {  	s3 =	simm.s32 $0x13C80  }
0xa0: {  	[tilespmem:s3], [sflag:$0x2] =	stream.indirect_vreg.gather [hbm4b:s8+s4], $0x80, v4, vm0, $0xb8;
	[tilespmem:$0x1EC80] =	vst v63  }
0xa1: {  	s5 =	simm.s32 $0x14480  }
0xa2: {  	[tilespmem:s5], [sflag:$0x2] =	stream.indirect_vreg.gather [hbm4b:s1+s4], $0x80, v3, vm0, $0xb8;
	[tilespmem:$0x1EC80] =	vst v63  }
0xa3: {  	s9 =	simm.s32 $0x14C80  }
0xa4: {  	[tilespmem:s9], [sflag:$0x2] =	stream.indirect_vreg.gather [hbm4b:s7+s4], $0x80, v3, vm0, $0xb8;
	[tilespmem:$0x1EC80] =	vst v63  }
0xa5: {  	s10 =	simm.s32 $0x15480  }
0xa6: {  	[tilespmem:s10], [sflag:$0x2] =	stream.indirect_vreg.gather [hbm4b:s8+s4], $0x80, v3, vm0, $0xb8;
	[tilespmem:$0x1EC80] =	vst v63  }
0xa7: {  	v3 =	vld [tilespmem:$0x70];
	_ =	sdelay $0x4  }
0xa8: {  	v61 =	vshrl.u32 v3, $0x3  }
0xa9: {  	v4 =	vmul.u32 $0x30, v61  }
0xaa: {  	v3 =	vand.u32 $0x7, v3  }
0xab: {  	v3 =	vor.u32 v3, v4  }
0xac: {  	v4 =	vperm.xlane v3, v0;
	_ =	sdelay $0x1  }
0xad: {  	v4 =	vadd.s32 v1, v4;
	_ =	sdelay $0x3  }
0xae: {  	s11 =	simm.s32 $0x15C80;
	v3 =	vperm.xlane v3, v2  }
0xaf: {  	[tilespmem:s11], [sflag:$0x2] =	stream.indirect_vreg.gather [hbm4b:s1+s4], $0x80, v4, vm0, $0xb8;
	[tilespmem:$0x1EC80] =	vst v63  }
0xb0: {  	s12 =	simm.s32 $0x16480;
	v3 =	vadd.s32 v1, v3  }
0xb1: {  	[tilespmem:s12], [sflag:$0x2] =	stream.indirect_vreg.gather [hbm4b:s7+s4], $0x80, v4, vm0, $0xb8;
	[tilespmem:$0x1EC80] =	vst v63  }
0xb2: {  	s13 =	simm.s32 $0x16C80  }
0xb3: {  	[tilespmem:s13], [sflag:$0x2] =	stream.indirect_vreg.gather [hbm4b:s8+s4], $0x80, v4, vm0, $0xb8;
	[tilespmem:$0x1EC80] =	vst v63  }
0xb4: {  	s14 =	simm.s32 $0x17480  }
0xb5: {  	[tilespmem:s14], [sflag:$0x2] =	stream.indirect_vreg.gather [hbm4b:s1+s4], $0x80, v3, vm0, $0xb8;
	[tilespmem:$0x1EC80] =	vst v63  }
0xb6: {  	s15 =	simm.s32 $0x17C80  }
0xb7: {  	[tilespmem:s15], [sflag:$0x2] =	stream.indirect_vreg.gather [hbm4b:s7+s4], $0x80, v3, vm0, $0xb8;
	[tilespmem:$0x1EC80] =	vst v63  }
0xb8: {  	s16 =	simm.s32 $0x18480  }
0xb9: {  	[tilespmem:s16], [sflag:$0x2] =	stream.indirect_vreg.gather [hbm4b:s8+s4], $0x80, v3, vm0, $0xb8;
	[tilespmem:$0x1EC80] =	vst v63  }
0xba: {  	v3 =	vld [tilespmem:$0x80];
	_ =	sdelay $0x4  }
0xbb: {  	v62 =	vshrl.u32 v3, $0x3  }
0xbc: {  	v4 =	vmul.u32 $0x30, v62  }
0xbd: {  	v3 =	vand.u32 $0x7, v3  }
0xbe: {  	v3 =	vor.u32 v3, v4  }
0xbf: {  	v4 =	vperm.xlane v3, v0;
	_ =	sdelay $0x1  }
0xc0: {  	v4 =	vadd.s32 v1, v4;
	_ =	sdelay $0x3  }
0xc1: {  	s17 =	simm.s32 $0x18C80;
	v3 =	vperm.xlane v3, v2  }
0xc2: {  	[tilespmem:s17], [sflag:$0x2] =	stream.indirect_vreg.gather [hbm4b:s1+s4], $0x80, v4, vm0, $0xb8;
	[tilespmem:$0x1EC80] =	vst v63  }
0xc3: {  	s18 =	simm.s32 $0x19480;
	v3 =	vadd.s32 v1, v3  }
0xc4: {  	[tilespmem:s18], [sflag:$0x2] =	stream.indirect_vreg.gather [hbm4b:s7+s4], $0x80, v4, vm0, $0xb8;
	[tilespmem:$0x1EC80] =	vst v63  }
0xc5: {  	s20 =	simm.s32 $0x19C80  }
0xc6: {  	[tilespmem:s20], [sflag:$0x2] =	stream.indirect_vreg.gather [hbm4b:s8+s4], $0x80, v4, vm0, $0xb8;
	[tilespmem:$0x1EC80] =	vst v63  }
0xc7: {  	s21 =	simm.s32 $0x1A480  }
0xc8: {  	[tilespmem:s21], [sflag:$0x2] =	stream.indirect_vreg.gather [hbm4b:s1+s4], $0x80, v3, vm0, $0xb8;
	[tilespmem:$0x1EC80] =	vst v63  }
0xc9: {  	s22 =	simm.s32 $0x1AC80  }
0xca: {  	[tilespmem:s22], [sflag:$0x2] =	stream.indirect_vreg.gather [hbm4b:s7+s4], $0x80, v3, vm0, $0xb8;
	[tilespmem:$0x1EC80] =	vst v63  }
0xcb: {  	s23 =	simm.s32 $0x1B480  }
0xcc: {  	[tilespmem:s23], [sflag:$0x2] =	stream.indirect_vreg.gather [hbm4b:s8+s4], $0x80, v3, vm0, $0xb8;
	[tilespmem:$0x1EC80] =	vst v63  }
0xcd: {  	v3 =	vld [tilespmem:$0x90];
	_ =	sdelay $0x4  }
0xce: {  	v63 =	vshrl.u32 v3, $0x3  }
0xcf: {  	v4 =	vmul.u32 $0x30, v63  }
0xd0: {  	v3 =	vand.u32 $0x7, v3  }
0xd1: {  	v3 =	vor.u32 v3, v4  }
0xd2: {  	v4 =	vperm.xlane v3, v0;
	_ =	sdelay $0x1  }
0xd3: {  	v4 =	vadd.s32 v1, v4;
	_ =	sdelay $0x1  }
0xd4: {  	s0 =	simm.s32 $0x130;
	s31 =	simm.s32 $0xA0  }
0xd5: {  	s24 =	simm.s32 $0x1BC80;
	s25 =	simm.s32 $0x1C480;
	s26 =	simm.s32 $0x1CC80  }
0xd6: {  	s2 =	rddreg [dreg:$0x8];
	s3 =	simm.s32 $0x3C80;
	s5 =	simm.s32 $0x9480;
	v3 =	vperm.xlane v3, v2  }
0xd7: {  	[tilespmem:s24], [sflag:$0x2] =	stream.indirect_vreg.gather [hbm4b:s1+s4], $0x80, v4, vm0, $0xb8;
	[tilespmem:$0x1EC80] =	vst v63  }
0xd8: {  	s9 =	simm.s32 $0x9C80;
	s10 =	rddreg [dreg:$0x2];
	s11 =	simm.s32 $0xA480;
	v3 =	vadd.s32 v1, v3  }
0xd9: {  	[tilespmem:s25], [sflag:$0x2] =	stream.indirect_vreg.gather [hbm4b:s7+s4], $0x80, v4, vm0, $0xb8;
	[tilespmem:$0x1EC80] =	vst v63  }
0xda: {  	s12 =	simm.s32 $0x2480;
	s13 =	simm.s32 $0x1D480;
	s14 =	rddreg [dreg:$0x9]  }
0xdb: {  	[tilespmem:s26], [sflag:$0x2] =	stream.indirect_vreg.gather [hbm4b:s8+s4], $0x80, v4, vm0, $0xb8;
	[tilespmem:$0x1EC80] =	vst v63  }
0xdc: {  	s15 =	simm.s32 $0x4480;
	s16 =	simm.s32 $0x1DC80;
	s17 =	simm.s32 $0x5480  }
0xdd: {  	[tilespmem:s13], [sflag:$0x2] =	stream.indirect_vreg.gather [hbm4b:s1+s4], $0x80, v3, vm0, $0xb8;
	[tilespmem:$0x1EC80] =	vst v63  }
0xde: {  	s18 =	simm.s32 $0x1E480;
	s20 =	simm.s32 $0xC80;
	s21 =	simm.s32 $0x6480  }
0xdf: {  	[tilespmem:s16], [sflag:$0x2] =	stream.indirect_vreg.gather [hbm4b:s7+s4], $0x80, v3, vm0, $0xb8;
	[tilespmem:$0x1EC80] =	vst v63  }
0xe0: {  	s23 =	simm.s32 $0x7480;
	s24 =	simm.s32 $0x7C80;
	s25 =	simm.s32 $0x8480  }
0xe1: {  	[tilespmem:s18], [sflag:$0x2] =	stream.indirect_vreg.gather [hbm4b:s8+s4], $0x80, v3, vm0, $0xb8;
	[tilespmem:$0x1EC80] =	vst v63  }
.LBB2_2:
0xe2: {  	_ =	swait.ge [sflag:s28], $0xF000  }
0xe3: {  	[sflag:s28] =	ssyncset.done $0x0  }
0xe4: {  	s26 =	simm.s32 $0xFC80;
	[sflag:s28] =	ssyncadd.s32 $0xFFFF1000  }
0xe5: {  	[hbm4b:s2+s4] =	stream.linear.scatter [tilespmem:s26], [sflag:$0x4], $0xF000, $0x38;
	[tilespmem:$0x1EC80] =	vst v63  }
0xe6: {  	_ =	swait.ge [sflag:s29], $0xF000  }
0xe7: {  	[sflag:s29] =	ssyncset.done $0x0  }
0xe8: {  	[sflag:s29] =	ssyncadd.s32 $0xFFFF1000  }
0xe9: {  	v3 =	vld [tilespmem:s0+$0xFFFFFF70];
	_ =	sdelay $0x4  }
0xea: {  	v4 =	vshrl.u32 v3, $0x3  }
0xeb: {  	v4 =	vmul.u32 $0x30, v4  }
0xec: {  	v3 =	vand.u32 $0x7, v3  }
0xed: {  	v3 =	vor.u32 v3, v4  }
0xee: {  	v4 =	vperm.xlane v3, v0;
	_ =	sdelay $0x1  }
0xef: {  	v4 =	vadd.s32 v1, v4;
	_ =	sdelay $0x3  }
0xf0: {  	v3 =	vperm.xlane v3, v2  }
0xf1: {  	[tilespmem:s20], [sflag:$0x1] =	stream.indirect_vreg.gather [hbm4b:s1+s4], $0x80, v4, vm0, $0xb8;
	[tilespmem:$0x1EC80] =	vst v63  }
0xf2: {  	v3 =	vadd.s32 v1, v3  }
0xf3: {  	[tilespmem:s6], [sflag:$0x1] =	stream.indirect_vreg.gather [hbm4b:s7+s4], $0x80, v4, vm0, $0xb8;
	[tilespmem:$0x1EC80] =	vst v63  }
0xf4: {  	s22 =	simm.s32 $0x1C80  }
0xf5: {  	[tilespmem:s22], [sflag:$0x1] =	stream.indirect_vreg.gather [hbm4b:s8+s4], $0x80, v4, vm0, $0xb8;
	[tilespmem:$0x1EC80] =	vst v63  }
0xf6: {  	_ = 	snop  }
0xf7: {  	[tilespmem:s12], [sflag:$0x1] =	stream.indirect_vreg.gather [hbm4b:s1+s4], $0x80, v3, vm0, $0xb8;
	[tilespmem:$0x1EC80] =	vst v63  }
0xf8: {  	s22 =	simm.s32 $0x2C80  }
0xf9: {  	[tilespmem:s22], [sflag:$0x1] =	stream.indirect_vreg.gather [hbm4b:s7+s4], $0x80, v3, vm0, $0xb8;
	[tilespmem:$0x1EC80] =	vst v63  }
0xfa: {  	s22 =	simm.s32 $0x3480  }
0xfb: {  	[tilespmem:s22], [sflag:$0x1] =	stream.indirect_vreg.gather [hbm4b:s8+s4], $0x80, v3, vm0, $0xb8;
	[tilespmem:$0x1EC80] =	vst v63  }
0xfc: {  	v3 =	vld [tilespmem:s0+$0xFFFFFF80];
	_ =	sdelay $0x4  }
0xfd: {  	v55 =	vshrl.u32 v3, $0x3  }
0xfe: {  	v4 =	vmul.u32 $0x30, v55  }
0xff: {  	v3 =	vand.u32 $0x7, v3  }
0x100: {  	v3 =	vor.u32 v3, v4  }
0x101: {  	v4 =	vperm.xlane v3, v0;
	_ =	sdelay $0x1  }
0x102: {  	v4 =	vadd.s32 v1, v4;
	_ =	sdelay $0x3  }
0x103: {  	v3 =	vperm.xlane v3, v2  }
0x104: {  	[tilespmem:s3], [sflag:$0x1] =	stream.indirect_vreg.gather [hbm4b:s1+s4], $0x80, v4, vm0, $0xb8;
	[tilespmem:$0x1EC80] =	vst v63  }
0x105: {  	v3 =	vadd.s32 v1, v3  }
0x106: {  	[tilespmem:s15], [sflag:$0x1] =	stream.indirect_vreg.gather [hbm4b:s7+s4], $0x80, v4, vm0, $0xb8;
	[tilespmem:$0x1EC80] =	vst v63  }
0x107: {  	s22 =	simm.s32 $0x4C80  }
0x108: {  	[tilespmem:s22], [sflag:$0x1] =	stream.indirect_vreg.gather [hbm4b:s8+s4], $0x80, v4, vm0, $0xb8;
	[tilespmem:$0x1EC80] =	vst v63  }
0x109: {  	_ = 	snop  }
0x10a: {  	[tilespmem:s17], [sflag:$0x1] =	stream.indirect_vreg.gather [hbm4b:s1+s4], $0x80, v3, vm0, $0xb8;
	[tilespmem:$0x1EC80] =	vst v63  }
0x10b: {  	s22 =	simm.s32 $0x5C80  }
0x10c: {  	[tilespmem:s22], [sflag:$0x1] =	stream.indirect_vreg.gather [hbm4b:s7+s4], $0x80, v3, vm0, $0xb8;
	[tilespmem:$0x1EC80] =	vst v63  }
0x10d: {  	_ = 	snop  }
0x10e: {  	[tilespmem:s21], [sflag:$0x1] =	stream.indirect_vreg.gather [hbm4b:s8+s4], $0x80, v3, vm0, $0xb8;
	[tilespmem:$0x1EC80] =	vst v63  }
0x10f: {  	v3 =	vld [tilespmem:s0+$0xFFFFFF90];
	_ =	sdelay $0x4  }
0x110: {  	v56 =	vshrl.u32 v3, $0x3  }
0x111: {  	v4 =	vmul.u32 $0x30, v56  }
0x112: {  	v3 =	vand.u32 $0x7, v3  }
0x113: {  	v3 =	vor.u32 v3, v4  }
0x114: {  	v4 =	vperm.xlane v3, v0;
	_ =	sdelay $0x1  }
0x115: {  	v4 =	vadd.s32 v1, v4;
	_ =	sdelay $0x3  }
0x116: {  	s22 =	simm.s32 $0x6C80;
	v3 =	vperm.xlane v3, v2  }
0x117: {  	[tilespmem:s22], [sflag:$0x1] =	stream.indirect_vreg.gather [hbm4b:s1+s4], $0x80, v4, vm0, $0xb8;
	[tilespmem:$0x1EC80] =	vst v63  }
0x118: {  	v3 =	vadd.s32 v1, v3  }
0x119: {  	[tilespmem:s23], [sflag:$0x1] =	stream.indirect_vreg.gather [hbm4b:s7+s4], $0x80, v4, vm0, $0xb8;
	[tilespmem:$0x1EC80] =	vst v63  }
0x11a: {  	_ = 	snop  }
0x11b: {  	[tilespmem:s24], [sflag:$0x1] =	stream.indirect_vreg.gather [hbm4b:s8+s4], $0x80, v4, vm0, $0xb8;
	[tilespmem:$0x1EC80] =	vst v63  }
0x11c: {  	_ = 	snop  }
0x11d: {  	[tilespmem:s25], [sflag:$0x1] =	stream.indirect_vreg.gather [hbm4b:s1+s4], $0x80, v3, vm0, $0xb8;
	[tilespmem:$0x1EC80] =	vst v63  }
0x11e: {  	s22 =	simm.s32 $0x8C80  }
0x11f: {  	[tilespmem:s22], [sflag:$0x1] =	stream.indirect_vreg.gather [hbm4b:s7+s4], $0x80, v3, vm0, $0xb8;
	[tilespmem:$0x1EC80] =	vst v63  }
0x120: {  	_ = 	snop  }
0x121: {  	[tilespmem:s5], [sflag:$0x1] =	stream.indirect_vreg.gather [hbm4b:s8+s4], $0x80, v3, vm0, $0xb8;
	[tilespmem:$0x1EC80] =	vst v63  }
0x122: {  	v3 =	vld [tilespmem:s0+$0xFFFFFFA0];
	_ =	sdelay $0x4  }
0x123: {  	v57 =	vshrl.u32 v3, $0x3  }
0x124: {  	v4 =	vmul.u32 $0x30, v57  }
0x125: {  	v3 =	vand.u32 $0x7, v3  }
0x126: {  	v3 =	vor.u32 v3, v4  }
0x127: {  	v4 =	vperm.xlane v3, v0;
	_ =	sdelay $0x1  }
0x128: {  	v4 =	vadd.s32 v1, v4;
	_ =	sdelay $0x3  }
0x129: {  	v3 =	vperm.xlane v3, v2  }
0x12a: {  	[tilespmem:s9], [sflag:$0x1] =	stream.indirect_vreg.gather [hbm4b:s1+s4], $0x80, v4, vm0, $0xb8;
	[tilespmem:$0x1EC80] =	vst v63  }
0x12b: {  	v3 =	vadd.s32 v1, v3  }
0x12c: {  	[tilespmem:s11], [sflag:$0x1] =	stream.indirect_vreg.gather [hbm4b:s7+s4], $0x80, v4, vm0, $0xb8;
	[tilespmem:$0x1EC80] =	vst v63  }
0x12d: {  	s22 =	simm.s32 $0xAC80  }
0x12e: {  	[tilespmem:s22], [sflag:$0x1] =	stream.indirect_vreg.gather [hbm4b:s8+s4], $0x80, v4, vm0, $0xb8;
	[tilespmem:$0x1EC80] =	vst v63  }
0x12f: {  	s22 =	simm.s32 $0xB480  }
0x130: {  	[tilespmem:s22], [sflag:$0x1] =	stream.indirect_vreg.gather [hbm4b:s1+s4], $0x80, v3, vm0, $0xb8;
	[tilespmem:$0x1EC80] =	vst v63  }
0x131: {  	s22 =	simm.s32 $0xBC80  }
0x132: {  	[tilespmem:s22], [sflag:$0x1] =	stream.indirect_vreg.gather [hbm4b:s7+s4], $0x80, v3, vm0, $0xb8;
	[tilespmem:$0x1EC80] =	vst v63  }
0x133: {  	s22 =	simm.s32 $0xC480  }
0x134: {  	[tilespmem:s22], [sflag:$0x1] =	stream.indirect_vreg.gather [hbm4b:s8+s4], $0x80, v3, vm0, $0xb8;
	[tilespmem:$0x1EC80] =	vst v63  }
0x135: {  	v3 =	vld [tilespmem:s0+$0xFFFFFFB0];
	_ =	sdelay $0x4  }
0x136: {  	v58 =	vshrl.u32 v3, $0x3  }
0x137: {  	v4 =	vmul.u32 $0x30, v58  }
0x138: {  	v3 =	vand.u32 $0x7, v3  }
0x139: {  	v3 =	vor.u32 v3, v4  }
0x13a: {  	v4 =	vperm.xlane v3, v0;
	_ =	sdelay $0x1  }
0x13b: {  	v4 =	vadd.s32 v1, v4;
	_ =	sdelay $0x3  }
0x13c: {  	s22 =	simm.s32 $0xCC80;
	v3 =	vperm.xlane v3, v2  }
0x13d: {  	[tilespmem:s22], [sflag:$0x1] =	stream.indirect_vreg.gather [hbm4b:s1+s4], $0x80, v4, vm0, $0xb8;
	[tilespmem:$0x1EC80] =	vst v63  }
0x13e: {  	v3 =	vadd.s32 v1, v3;
	s22 =	simm.s32 $0xD480  }
0x13f: {  	[tilespmem:s22], [sflag:$0x1] =	stream.indirect_vreg.gather [hbm4b:s7+s4], $0x80, v4, vm0, $0xb8;
	[tilespmem:$0x1EC80] =	vst v63  }
0x140: {  	s22 =	simm.s32 $0xDC80  }
0x141: {  	[tilespmem:s22], [sflag:$0x1] =	stream.indirect_vreg.gather [hbm4b:s8+s4], $0x80, v4, vm0, $0xb8;
	[tilespmem:$0x1EC80] =	vst v63  }
0x142: {  	s22 =	simm.s32 $0xE480  }
0x143: {  	[tilespmem:s22], [sflag:$0x1] =	stream.indirect_vreg.gather [hbm4b:s1+s4], $0x80, v3, vm0, $0xb8;
	[tilespmem:$0x1EC80] =	vst v63  }
0x144: {  	s22 =	simm.s32 $0xEC80  }
0x145: {  	[tilespmem:s22], [sflag:$0x1] =	stream.indirect_vreg.gather [hbm4b:s7+s4], $0x80, v3, vm0, $0xb8;
	[tilespmem:$0x1EC80] =	vst v63  }
0x146: {  	s22 =	simm.s32 $0xF480  }
0x147: {  	[tilespmem:s22], [sflag:$0x1] =	stream.indirect_vreg.gather [hbm4b:s8+s4], $0x80, v3, vm0, $0xb8;
	[tilespmem:$0x1EC80] =	vst v63  }
0x148: {  	s22 =	sadd.s32 s31, s14  }
0x149: {  	s6 =	sshrl.u32 s22, $0x3  }
0x14a: {  	_ =	swait.ge [sflag:s19], $0xF000;
	s6 =	smul.u32 $0x300, s6  }
0x14b: {  	[sflag:s19] =	ssyncset.done $0x0  }
0x14c: {  	[sflag:s19] =	ssyncadd.s32 $0xFFFF1000;
	s6 =	sadd.s32 s10, s6  }
0x14d: {  	[hbm4b:s6+s4] =	stream.linear.scatter [tilespmem:s20], [sflag:$0x3], $0xF000, $0x38;
	[tilespmem:$0x1EC80] =	vst v63  }
0x14e: {  	_ =	swait.ge [sflag:s30], $0xF000  }
0x14f: {  	[sflag:s30] =	ssyncset.done $0x0  }
0x150: {  	[sflag:s30] =	ssyncadd.s32 $0xFFFF1000  }
0x151: {  	v3 =	vld [tilespmem:s0+$0xFFFFFFC0];
	_ =	sdelay $0x4  }
0x152: {  	v59 =	vshrl.u32 v3, $0x3  }
0x153: {  	v4 =	vmul.u32 $0x30, v59  }
0x154: {  	v3 =	vand.u32 $0x7, v3  }
0x155: {  	v3 =	vor.u32 v3, v4  }
0x156: {  	v4 =	vperm.xlane v3, v0;
	_ =	sdelay $0x1  }
0x157: {  	v4 =	vadd.s32 v1, v4;
	_ =	sdelay $0x3  }
0x158: {  	v3 =	vperm.xlane v3, v2  }
0x159: {  	[tilespmem:s26], [sflag:$0x2] =	stream.indirect_vreg.gather [hbm4b:s1+s4], $0x80, v4, vm0, $0xb8;
	[tilespmem:$0x1EC80] =	vst v63  }
0x15a: {  	v3 =	vadd.s32 v1, v3;
	s26 =	simm.s32 $0x10480  }
0x15b: {  	[tilespmem:s26], [sflag:$0x2] =	stream.indirect_vreg.gather [hbm4b:s7+s4], $0x80, v4, vm0, $0xb8;
	[tilespmem:$0x1EC80] =	vst v63  }
0x15c: {  	s26 =	simm.s32 $0x10C80  }
0x15d: {  	[tilespmem:s26], [sflag:$0x2] =	stream.indirect_vreg.gather [hbm4b:s8+s4], $0x80, v4, vm0, $0xb8;
	[tilespmem:$0x1EC80] =	vst v63  }
0x15e: {  	s26 =	simm.s32 $0x11480  }
0x15f: {  	[tilespmem:s26], [sflag:$0x2] =	stream.indirect_vreg.gather [hbm4b:s1+s4], $0x80, v3, vm0, $0xb8;
	[tilespmem:$0x1EC80] =	vst v63  }
0x160: {  	s26 =	simm.s32 $0x11C80  }
0x161: {  	[tilespmem:s26], [sflag:$0x2] =	stream.indirect_vreg.gather [hbm4b:s7+s4], $0x80, v3, vm0, $0xb8;
	[tilespmem:$0x1EC80] =	vst v63  }
0x162: {  	s26 =	simm.s32 $0x12480  }
0x163: {  	[tilespmem:s26], [sflag:$0x2] =	stream.indirect_vreg.gather [hbm4b:s8+s4], $0x80, v3, vm0, $0xb8;
	[tilespmem:$0x1EC80] =	vst v63  }
0x164: {  	v3 =	vld [tilespmem:s0+$0xFFFFFFD0];
	_ =	sdelay $0x4  }
0x165: {  	v60 =	vshrl.u32 v3, $0x3  }
0x166: {  	v4 =	vmul.u32 $0x30, v60  }
0x167: {  	v3 =	vand.u32 $0x7, v3  }
0x168: {  	v3 =	vor.u32 v3, v4  }
0x169: {  	v4 =	vperm.xlane v3, v0;
	_ =	sdelay $0x1  }
0x16a: {  	v4 =	vadd.s32 v1, v4;
	_ =	sdelay $0x3  }
0x16b: {  	s26 =	simm.s32 $0x12C80;
	v3 =	vperm.xlane v3, v2  }
0x16c: {  	[tilespmem:s26], [sflag:$0x2] =	stream.indirect_vreg.gather [hbm4b:s1+s4], $0x80, v4, vm0, $0xb8;
	[tilespmem:$0x1EC80] =	vst v63  }
0x16d: {  	v3 =	vadd.s32 v1, v3;
	s26 =	simm.s32 $0x13480  }
0x16e: {  	[tilespmem:s26], [sflag:$0x2] =	stream.indirect_vreg.gather [hbm4b:s7+s4], $0x80, v4, vm0, $0xb8;
	[tilespmem:$0x1EC80] =	vst v63  }
0x16f: {  	s26 =	simm.s32 $0x13C80  }
0x170: {  	[tilespmem:s26], [sflag:$0x2] =	stream.indirect_vreg.gather [hbm4b:s8+s4], $0x80, v4, vm0, $0xb8;
	[tilespmem:$0x1EC80] =	vst v63  }
0x171: {  	s26 =	simm.s32 $0x14480  }
0x172: {  	[tilespmem:s26], [sflag:$0x2] =	stream.indirect_vreg.gather [hbm4b:s1+s4], $0x80, v3, vm0, $0xb8;
	[tilespmem:$0x1EC80] =	vst v63  }
0x173: {  	s26 =	simm.s32 $0x14C80  }
0x174: {  	[tilespmem:s26], [sflag:$0x2] =	stream.indirect_vreg.gather [hbm4b:s7+s4], $0x80, v3, vm0, $0xb8;
	[tilespmem:$0x1EC80] =	vst v63  }
0x175: {  	s26 =	simm.s32 $0x15480  }
0x176: {  	[tilespmem:s26], [sflag:$0x2] =	stream.indirect_vreg.gather [hbm4b:s8+s4], $0x80, v3, vm0, $0xb8;
	[tilespmem:$0x1EC80] =	vst v63  }
0x177: {  	v3 =	vld [tilespmem:s0+$0xFFFFFFE0];
	_ =	sdelay $0x4  }
0x178: {  	v61 =	vshrl.u32 v3, $0x3  }
0x179: {  	v4 =	vmul.u32 $0x30, v61  }
0x17a: {  	v3 =	vand.u32 $0x7, v3  }
0x17b: {  	v3 =	vor.u32 v3, v4  }
0x17c: {  	v4 =	vperm.xlane v3, v0;
	_ =	sdelay $0x1  }
0x17d: {  	v4 =	vadd.s32 v1, v4;
	_ =	sdelay $0x3  }
0x17e: {  	s26 =	simm.s32 $0x15C80;
	v3 =	vperm.xlane v3, v2  }
0x17f: {  	[tilespmem:s26], [sflag:$0x2] =	stream.indirect_vreg.gather [hbm4b:s1+s4], $0x80, v4, vm0, $0xb8;
	[tilespmem:$0x1EC80] =	vst v63  }
0x180: {  	v3 =	vadd.s32 v1, v3;
	s26 =	simm.s32 $0x16480  }
0x181: {  	[tilespmem:s26], [sflag:$0x2] =	stream.indirect_vreg.gather [hbm4b:s7+s4], $0x80, v4, vm0, $0xb8;
	[tilespmem:$0x1EC80] =	vst v63  }
0x182: {  	s26 =	simm.s32 $0x16C80  }
0x183: {  	[tilespmem:s26], [sflag:$0x2] =	stream.indirect_vreg.gather [hbm4b:s8+s4], $0x80, v4, vm0, $0xb8;
	[tilespmem:$0x1EC80] =	vst v63  }
0x184: {  	s26 =	simm.s32 $0x17480  }
0x185: {  	[tilespmem:s26], [sflag:$0x2] =	stream.indirect_vreg.gather [hbm4b:s1+s4], $0x80, v3, vm0, $0xb8;
	[tilespmem:$0x1EC80] =	vst v63  }
0x186: {  	s26 =	simm.s32 $0x17C80  }
0x187: {  	[tilespmem:s26], [sflag:$0x2] =	stream.indirect_vreg.gather [hbm4b:s7+s4], $0x80, v3, vm0, $0xb8;
	[tilespmem:$0x1EC80] =	vst v63  }
0x188: {  	s26 =	simm.s32 $0x18480  }
0x189: {  	[tilespmem:s26], [sflag:$0x2] =	stream.indirect_vreg.gather [hbm4b:s8+s4], $0x80, v3, vm0, $0xb8;
	[tilespmem:$0x1EC80] =	vst v63  }
0x18a: {  	v3 =	vld [tilespmem:s0+$0xFFFFFFF0];
	_ =	sdelay $0x4  }
0x18b: {  	v62 =	vshrl.u32 v3, $0x3  }
0x18c: {  	v4 =	vmul.u32 $0x30, v62  }
0x18d: {  	v3 =	vand.u32 $0x7, v3  }
0x18e: {  	v3 =	vor.u32 v3, v4  }
0x18f: {  	v4 =	vperm.xlane v3, v0;
	_ =	sdelay $0x1  }
0x190: {  	v4 =	vadd.s32 v1, v4;
	_ =	sdelay $0x3  }
0x191: {  	s26 =	simm.s32 $0x18C80;
	v3 =	vperm.xlane v3, v2  }
0x192: {  	[tilespmem:s26], [sflag:$0x2] =	stream.indirect_vreg.gather [hbm4b:s1+s4], $0x80, v4, vm0, $0xb8;
	[tilespmem:$0x1EC80] =	vst v63  }
0x193: {  	v3 =	vadd.s32 v1, v3;
	s26 =	simm.s32 $0x19480  }
0x194: {  	[tilespmem:s26], [sflag:$0x2] =	stream.indirect_vreg.gather [hbm4b:s7+s4], $0x80, v4, vm0, $0xb8;
	[tilespmem:$0x1EC80] =	vst v63  }
0x195: {  	s26 =	simm.s32 $0x19C80  }
0x196: {  	[tilespmem:s26], [sflag:$0x2] =	stream.indirect_vreg.gather [hbm4b:s8+s4], $0x80, v4, vm0, $0xb8;
	[tilespmem:$0x1EC80] =	vst v63  }
0x197: {  	s26 =	simm.s32 $0x1A480  }
0x198: {  	[tilespmem:s26], [sflag:$0x2] =	stream.indirect_vreg.gather [hbm4b:s1+s4], $0x80, v3, vm0, $0xb8;
	[tilespmem:$0x1EC80] =	vst v63  }
0x199: {  	s26 =	simm.s32 $0x1AC80  }
0x19a: {  	[tilespmem:s26], [sflag:$0x2] =	stream.indirect_vreg.gather [hbm4b:s7+s4], $0x80, v3, vm0, $0xb8;
	[tilespmem:$0x1EC80] =	vst v63  }
0x19b: {  	s26 =	simm.s32 $0x1B480  }
0x19c: {  	[tilespmem:s26], [sflag:$0x2] =	stream.indirect_vreg.gather [hbm4b:s8+s4], $0x80, v3, vm0, $0xb8;
	[tilespmem:$0x1EC80] =	vst v63  }
0x19d: {  	v3 =	vld [tilespmem:s0+$0x0];
	_ =	sdelay $0x4  }
0x19e: {  	v63 =	vshrl.u32 v3, $0x3  }
0x19f: {  	v4 =	vmul.u32 $0x30, v63  }
0x1a0: {  	v3 =	vand.u32 $0x7, v3  }
0x1a1: {  	v3 =	vor.u32 v3, v4  }
0x1a2: {  	v4 =	vperm.xlane v3, v0;
	_ =	sdelay $0x1  }
0x1a3: {  	v4 =	vadd.s32 v1, v4;
	_ =	sdelay $0x3  }
0x1a4: {  	s26 =	simm.s32 $0x1BC80;
	v3 =	vperm.xlane v3, v2  }
0x1a5: {  	[tilespmem:s26], [sflag:$0x2] =	stream.indirect_vreg.gather [hbm4b:s1+s4], $0x80, v4, vm0, $0xb8;
	[tilespmem:$0x1EC80] =	vst v63  }
0x1a6: {  	v3 =	vadd.s32 v1, v3;
	s26 =	simm.s32 $0x1C480  }
0x1a7: {  	[tilespmem:s26], [sflag:$0x2] =	stream.indirect_vreg.gather [hbm4b:s7+s4], $0x80, v4, vm0, $0xb8;
	[tilespmem:$0x1EC80] =	vst v63  }
0x1a8: {  	s26 =	simm.s32 $0x1CC80  }
0x1a9: {  	[tilespmem:s26], [sflag:$0x2] =	stream.indirect_vreg.gather [hbm4b:s8+s4], $0x80, v4, vm0, $0xb8;
	[tilespmem:$0x1EC80] =	vst v63  }
0x1aa: {  	p0 =	sne.s32 s31, $0xBE0  }
0x1ab: {  	[tilespmem:s13], [sflag:$0x2] =	stream.indirect_vreg.gather [hbm4b:s1+s4], $0x80, v3, vm0, $0xb8;
	[tilespmem:$0x1EC80] =	vst v63  }
.Ltmp0:
0x1ac: {  	_ = 	snop;
	(pc) =	sbr.rel @p0 .LBB2_2-.Ltmp0, $4  }
0x1ad: {  	s2 =	sadd.s32 $0x3C00, s2;
	s31 =	sadd.s32 $0xA0, s31  }
0x1ae: {  	[tilespmem:s16], [sflag:$0x2] =	stream.indirect_vreg.gather [hbm4b:s7+s4], $0x80, v3, vm0, $0xb8;
	[tilespmem:$0x1EC80] =	vst v63  }
0x1af: {  	s22 =	simm.s32 $0xFC80;
	s6 =	simm.s32 $0x1480;
	s0 =	sadd.s32 $0xA0, s0  }
0x1b0: {  	[tilespmem:s18], [sflag:$0x2] =	stream.indirect_vreg.gather [hbm4b:s8+s4], $0x80, v3, vm0, $0xb8;
	[tilespmem:$0x1EC80] =	vst v63  }
0x1b1: {  	_ =	swait.ge [sflag:s28], $0xF000  }
0x1b2: {  	[sflag:s28] =	ssyncset.done $0x0  }
0x1b3: {  	s0 =	rddreg [dreg:$0x6];
	[sflag:s28] =	ssyncadd.s32 $0xFFFF1000  }
0x1b4: {  	[hbm4b:s0+s4] =	stream.linear.scatter [tilespmem:s22], [sflag:$0x4], $0xF000, $0x38;
	[tilespmem:$0x1EC80] =	vst v63  }
0x1b5: {  	_ =	swait.ge [sflag:s29], $0xF000  }
0x1b6: {  	[sflag:s29] =	ssyncset.done $0x0  }
0x1b7: {  	s10 =	simm.s32 $0x2480;
	s9 =	simm.s32 $0x2C80;
	[sflag:s29] =	ssyncadd.s32 $0xFFFF1000  }
0x1b8: {  	s11 =	simm.s32 $0x3480;
	s3 =	simm.s32 $0x3C80;
	_ =	swait.ge [sflag:s30], $0xF000  }
0x1b9: {  	s12 =	simm.s32 $0x4480;
	s13 =	simm.s32 $0x4C80;
	s2 =	rddreg [dreg:$0xa]  }
0x1ba: {  	s15 =	simm.s32 $0x5480;
	s26 =	rddreg [dreg:$0x7];
	s2 =	sadd.s32 $0x1, s2  }
0x1bb: {  	s16 =	simm.s32 $0x5C80;
	s17 =	simm.s32 $0x6480;
	p0 =	sne.s32 s2, s26  }
.Ltmp1:
0x1bc: {  	s18 =	simm.s32 $0x6C80;
	s21 =	simm.s32 $0x7480;
	(pc) =	sbr.rel @p0 .LBB2_1-.Ltmp1, $4  }
0x1bd: {  	s14 =	simm.s32 $0x7C80;
	s23 =	simm.s32 $0x8480;
	s24 =	simm.s32 $0x8C80  }
0x1be: {  	s5 =	simm.s32 $0x9480;
	s20 =	simm.s32 $0x9C80;
	[sflag:s30] =	ssyncset.done $0x0  }
0x1bf: {  	s25 =	simm.s32 $0xA480;
	s31 =	simm.s32 $0xB480;
	[sflag:s30] =	ssyncadd.s32 $0xFFFF1000  }
0x1c0: {  	[dreg:$0xa] =	wrdreg s2;
	s2 =	simm.s32 $0x1C80;
	s26 =	simm.s32 $0xAC80  }
0x1c1: {  	_ =	sfence.sel $0x180000  }
0x1c2: {  	[bflag:$0x0] =	sbarrier.arrive $0xFFFF  }
0x1c3: {  	_ =	strace $0x90000047  }
0x1c4: {  	s0 =	stileid.u32;
	[bflag:$0x2] =	sbarrier.arrive $0xFFFF  }
0x1c5: {  	p0 =	sne.s32 s0, $0x0;
	s0 =	rddreg [dreg:$0x3]  }
0x1c6: {  	s0 =	sadd.s32 @!p0 $0x100000, s0  }
0x1c7: {  	[sflag:s0] =	ssyncadd.tile.s32 @!p0 $0x1;
	_ =	shalt  }
.Lfunc_end2:
_tile_overlayer_lowered:
.L_overlay_start_2:
0x1c8: {  	(tag) =	ssettag $0x2  }
0x1c9: {  	s0 =	rddreg [dreg:$0x0];
	s2 =	stileid.u32  }
0x1ca: {  	s1 =	rddreg [dreg:$0x1];
	p0 =	sne.s32 s2, $0x0  }
0x1cb: {  	s3 =	rddreg [dreg:$0x2];
	[bflag:$0x3] =	sbarrier.arrive $0xFFFF;
	s2 =	simm.s32 @!p0 $0x1C05  }
0x1cc: {  	[timem:s3], [sflag:s2] =	dma.local @!p0 [hbm:s0], s1  }
0x1cd: {  	s0 =	simm.s32 @!p0 $0x5  }
0x1ce: {  	_ =	swait.ge @!p0 [sflag:s0], s1  }
0x1cf: {  	s1 =	ssub.s32 @!p0 $0x0, s1;
	[sflag:s0] =	ssyncset.done @!p0 $0x0  }
0x1d0: {  	[sflag:s0] =	ssyncadd.s32 @!p0 s1  }
0x1d1: {  	[bflag:$0x3] =	sbarrier.arrive $0xFFFF  }
0x1d2: {  	_ =	shalt  }

</sc_bundles>
